<compile_context>
chip_gen: v7x
topology: tpu7x:2x2x1
jax: 0.10.2.dev20260603
libtpu: 0.0.44.dev20260713+nightly
codegen_flags: <defaults>
</compile_context>

<pallas_src>
import functools

import jax
import jax.numpy as jnp
from jax import lax
from jax.experimental import pallas as pl
from jax.experimental.pallas import tpu as pltpu
from jax.experimental.pallas import tpu_sc as plsc

EPS = 1e-9
N, C, H, W = 8, 3, 512, 512
LANES = 16
NC, NS = 2, 16
NW = NC * NS
ROWS = H // NW
NWIN = W // LANES
NSLOT = 12


def _sc_interp(data2d, dis_flat):
    mesh = plsc.VectorSubcoreMesh(core_axis_name="c", subcore_axis_name="s")

    @functools.partial(
        pl.kernel,
        mesh=mesh,
        out_type=jax.ShapeDtypeStruct((C * H, W), jnp.float32),
        compiler_params=pltpu.CompilerParams(needs_layout_passes=False),
        scratch_types=[
            [pltpu.VMEM((ROWS, W), jnp.float32) for _ in range(NSLOT)],
            [pltpu.VMEM((ROWS,), jnp.int32) for _ in range(NSLOT)],
            [pltpu.VMEM((ROWS, W), jnp.float32) for _ in range(2)],
            pltpu.VMEM((LANES,), jnp.float32),
            [pltpu.SemaphoreType.DMA for _ in range(NSLOT)],
            [pltpu.SemaphoreType.DMA for _ in range(2)],
        ],
    )
    def k(data_hbm, dis_hbm, out_hbm, slabs, idxs, accs,
          dis_v, sems, osems):
        wid = lax.axis_index("s") * NC + lax.axis_index("c")
        h0 = wid * ROWS

        pltpu.sync_copy(dis_hbm, dis_v)

        lane = lax.iota(jnp.int32, LANES)
        i0 = jnp.maximum(14 - 2 * lane, 0)
        i1 = jnp.maximum(15 - 2 * lane, 0)
        g0 = plsc.load_gather(dis_v, [i0])
        g1 = plsc.load_gather(dis_v, [i1])
        t = jnp.abs(g0 * g1)
        t = jnp.where(lane < N, t, 0.0)
        t = jnp.where(t <= EPS, 0.0, t)
        ssum = jnp.sum(t)
        deg = jnp.abs(ssum) <= EPS
        denom = jnp.where(deg, 1.0, ssum)
        w = t / denom
        w = jnp.where(jnp.abs(w) <= EPS, 0.0, w)
        degf = jnp.where(deg, 1.0, 0.0)
        onehot = jnp.where(lane == 0, 1.0, 0.0)
        w = w * (1.0 - degf) + onehot * degf
        zeros_f = jnp.zeros((LANES,), jnp.float32)
        wbc = [zeros_f + w[a] for a in range(N)]

        zeros_i = jnp.zeros((LANES,), jnp.int32)
        MAGIC = jnp.float32(12582912.0)
        dvec = dis_v[...]
        ivec = ((dvec + MAGIC) - MAGIC).astype(jnp.int32)
        dus = [ivec[2 * n] for n in range(N)]
        dvs = [ivec[2 * n + 1] for n in range(N)]

        def fire(u):
            n, c = u % N, u // N
            slot = u % NSLOT
            idxs[slot][...] = (jnp.clip(lane + (h0 + dus[n]), 0, H - 1)
                               + (n * C + c) * H)
            return pltpu.async_copy(data_hbm.at[idxs[slot]], slabs[slot],
                                    sems[slot])

        handles = [fire(u) for u in range(NSLOT)]
        out_handles = []

        for c in range(C):
            for n in range(N):
                handles[c * N + n].wait()
            acc = accs[c % 2]
            if c >= 2:
                out_handles[c - 2].wait()
            cslabs = [slabs[(c * N + n) % NSLOT] for n in range(N)]

            @plsc.parallel_loop(0, NWIN)
            def win_body(j, cslabs=cslabs, acc=acc):
                w0 = j * LANES
                cas = [jnp.clip(lane + (w0 + dvs[n]), 0, W - 1)
                       for n in range(N)]

                @plsc.parallel_loop(0, ROWS)
                def row_body(r):
                    sr = zeros_i + r
                    v = wbc[0] * plsc.load_gather(cslabs[0], [sr, cas[0]])
                    for n in range(1, N):
                        v = v + wbc[n] * plsc.load_gather(cslabs[n],
                                                          [sr, cas[n]])
                    acc[r, pl.ds(w0, LANES)] = v

            for n in range(N):
                u = NSLOT + c * N + n
                if u < C * N:
                    handles.append(fire(u))
            base = pl.multiple_of(c * H + h0, 8)
            out_handles.append(
                pltpu.async_copy(acc, out_hbm.at[pl.ds(base, ROWS)],
                                 osems[c % 2]))

        out_handles[1].wait()
        out_handles[2].wait()

    return k(data2d, dis_flat)


def kernel(pixel, cam_xyz, neighbors, dis, data):
    del pixel, cam_xyz, neighbors
    dis_flat = dis.reshape(2 * N)
    data2d = data.reshape(N * C * H, W)
    out2d = _sc_interp(data2d, dis_flat)
    return out2d.reshape(C, H, W)

# --- scband reference (transcript-rebuilt; emitter-appended) ---
"""Pipeline reference for scband-interpolate-28664611734210 (READ-ONLY COPY).

The authoritative reference and input builder live on the scoring server;
editing this copy changes nothing except your own understanding.
"""

import jax, jax.numpy as jnp
import numpy as np

EPS = 1e-9


def uv_map(pixel, cam_xyz, dis):
    # Stand-in for the user-supplied uv_map callable: per-neighbor integer
    # pixel coordinates = base grid shifted by rounded disparity offsets.
    H, W = pixel.shape
    gu, gv = jnp.meshgrid(jnp.arange(H), jnp.arange(W), indexing='ij')
    grid = jnp.stack([gu, gv], axis=-1).astype(jnp.float32)  # [H, W, 2]
    uv = grid[None, :, :, :] + jnp.round(dis)[:, None, None, :]  # [N, H, W, 2]
    return uv.astype(jnp.int32)


def setup_inputs(seed: int = 0) -> dict:
    key = jax.random.key(seed)
    k1, k2, k3, k4, k5 = jax.random.split(key, 5)
    N, H, W = 8, 512, 512
    pixel = jax.random.normal(k1, (H, W), dtype=jnp.float32)
    cam_xyz = jax.random.normal(k2, (3,), dtype=jnp.float32)
    neighbors = jax.random.normal(k3, (N, 2), dtype=jnp.float32)
    dis = jax.random.normal(k4, (N, 2), dtype=jnp.float32) * 4.0
    data = jax.random.normal(k5, (N, 3, H, W), dtype=jnp.float32)
    return {"pixel": pixel, "cam_xyz": cam_xyz, "neighbors": neighbors, "dis": dis, "data": data}


def _gather(data_i, uv_i, H, W):
    # torch: data[i, :, u, v] with u,v flat int indices -> [3, H*W]
    u = jnp.clip(uv_i[:, :, 0].reshape(-1), 0, H - 1)
    v = jnp.clip(uv_i[:, :, 1].reshape(-1), 0, W - 1)
    return data_i[:, u, v].reshape(3, H, W)


def reference(pixel, cam_xyz, neighbors, dis, data):
    H, W = pixel.shape
    N = neighbors.shape[0]
    uv = uv_map(pixel, cam_xyz, dis)  # [N, H, W, 2] int32
    # rbf is None branch
    tmp = jnp.abs(dis[:, 0] * dis[:, 1])[::-1]  # flip(-1)
    tmp = jnp.where(jnp.abs(tmp) <= EPS, 0.0, tmp)
    degenerate = jnp.abs(tmp.sum()) <= EPS
    # degenerate branch: nearest-view gather from data[0]
    rgb_deg = _gather(data[0], uv[0], H, W)
    denom = jnp.where(degenerate, 1.0, tmp.sum())
    wgt = tmp / denom
    wgt = jnp.where(jnp.abs(wgt) <= EPS, 0.0, wgt)
    rgb = jnp.zeros((3, H, W), dtype=jnp.float32)
    for i in range(N):
        # torch skips wgt[i]==0 as an optimization; multiplying by zero
        # weight is mathematically identical.
        rgb = rgb + wgt[i] * _gather(data[i], uv[i], H, W)
    return jnp.where(degenerate, rgb_deg, rgb)

if __name__ == "__main__":
    import jax
    _d = setup_inputs()
    print(jax.jit(kernel)(*tuple(_d.values())))

</pallas_src>

<mosaic_0001>
#map = affine_map<(d0, d1) -> (0, 0)>
#map1 = affine_map<(d0, d1) -> (0)>
module attributes {stable_mosaic.version = 14 : i64} {
  func.func @k(%arg0: i32, %arg1: i32, %arg2: memref<12288x512xf32, #tpu.memory_space<hbm>>, %arg3: memref<16xf32, #tpu.memory_space<hbm>>, %arg4: memref<1536x512xf32, #tpu.memory_space<hbm>>, %arg5: memref<16x512xf32, #tpu.memory_space<vmem>>, %arg6: memref<16x512xf32, #tpu.memory_space<vmem>>, %arg7: memref<16x512xf32, #tpu.memory_space<vmem>>, %arg8: memref<16x512xf32, #tpu.memory_space<vmem>>, %arg9: memref<16x512xf32, #tpu.memory_space<vmem>>, %arg10: memref<16x512xf32, #tpu.memory_space<vmem>>, %arg11: memref<16x512xf32, #tpu.memory_space<vmem>>, %arg12: memref<16x512xf32, #tpu.memory_space<vmem>>, %arg13: memref<16x512xf32, #tpu.memory_space<vmem>>, %arg14: memref<16x512xf32, #tpu.memory_space<vmem>>, %arg15: memref<16x512xf32, #tpu.memory_space<vmem>>, %arg16: memref<16x512xf32, #tpu.memory_space<vmem>>, %arg17: memref<16xi32, #tpu.memory_space<vmem>>, %arg18: memref<16xi32, #tpu.memory_space<vmem>>, %arg19: memref<16xi32, #tpu.memory_space<vmem>>, %arg20: memref<16xi32, #tpu.memory_space<vmem>>, %arg21: memref<16xi32, #tpu.memory_space<vmem>>, %arg22: memref<16xi32, #tpu.memory_space<vmem>>, %arg23: memref<16xi32, #tpu.memory_space<vmem>>, %arg24: memref<16xi32, #tpu.memory_space<vmem>>, %arg25: memref<16xi32, #tpu.memory_space<vmem>>, %arg26: memref<16xi32, #tpu.memory_space<vmem>>, %arg27: memref<16xi32, #tpu.memory_space<vmem>>, %arg28: memref<16xi32, #tpu.memory_space<vmem>>, %arg29: memref<16x512xf32, #tpu.memory_space<vmem>>, %arg30: memref<16x512xf32, #tpu.memory_space<vmem>>, %arg31: memref<16xf32, #tpu.memory_space<vmem>>, %arg32: memref<!tpu.dma_semaphore, #tpu.memory_space<semaphore_mem>>, %arg33: memref<!tpu.dma_semaphore, #tpu.memory_space<semaphore_mem>>, %arg34: memref<!tpu.dma_semaphore, #tpu.memory_space<semaphore_mem>>, %arg35: memref<!tpu.dma_semaphore, #tpu.memory_space<semaphore_mem>>, %arg36: memref<!tpu.dma_semaphore, #tpu.memory_space<semaphore_mem>>, %arg37: memref<!tpu.dma_semaphore, #tpu.memory_space<semaphore_mem>>, %arg38: memref<!tpu.dma_semaphore, #tpu.memory_space<semaphore_mem>>, %arg39: memref<!tpu.dma_semaphore, #tpu.memory_space<semaphore_mem>>, %arg40: memref<!tpu.dma_semaphore, #tpu.memory_space<semaphore_mem>>, %arg41: memref<!tpu.dma_semaphore, #tpu.memory_space<semaphore_mem>>, %arg42: memref<!tpu.dma_semaphore, #tpu.memory_space<semaphore_mem>>, %arg43: memref<!tpu.dma_semaphore, #tpu.memory_space<semaphore_mem>>, %arg44: memref<!tpu.dma_semaphore, #tpu.memory_space<semaphore_mem>>, %arg45: memref<!tpu.dma_semaphore, #tpu.memory_space<semaphore_mem>>) attributes {dimension_semantics = [#tpu.dimension_semantics<core_parallel>, #tpu.dimension_semantics<subcore_parallel>], iteration_bounds = array<i64: 2, 16>, scalar_prefetch = 0 : i64, scratch_operands = 41 : i64, tpu.core_type = #tpu.core_type<sc_vector_subcore>, window_params = [{transform_indices = #map}, {transform_indices = #map1}, {transform_indices = #map}]} {
    %mul3A = arith.constant 2 : i32
    %mul3A_0 = arith.muli %arg1, %mul3A : i32
    %add3A = arith.addi %mul3A_0, %arg0 : i32
    %mul3A_1 = arith.constant 16 : i32
    %mul3A_2 = arith.muli %add3A, %mul3A_1 : i32
    "tpu.region"() ({
      %run_scoped3A = tpu.sem_alloc : memref<!tpu.dma_semaphore, #tpu.memory_space<semaphore_mem>>
      tpu.enqueue_dma source(%arg3 : memref<16xf32, #tpu.memory_space<hbm>>) target(%arg31 : memref<16xf32, #tpu.memory_space<vmem>>) target_semaphore(%run_scoped3A : memref<!tpu.dma_semaphore, #tpu.memory_space<semaphore_mem>>)
      tpu.wait_dma2 semaphore(%run_scoped3A : memref<!tpu.dma_semaphore, #tpu.memory_space<semaphore_mem>>) src(%arg3 : memref<16xf32, #tpu.memory_space<hbm>>) dst(%arg31 : memref<16xf32, #tpu.memory_space<vmem>>)
      tpu.yield
    }) : () -> ()
    %iota3A = tpu.iota {dimensions = array<i32: 0>} : vector<16xi32>
    %mul3A_3 = arith.constant 2 : i32
    %mul3A_4 = vector.broadcast %mul3A_3 : i32 to vector<16xi32>
    %mul3A_5 = arith.muli %mul3A_4, %iota3A : vector<16xi32>
    %sub3A = arith.constant 14 : i32
    %sub3A_6 = vector.broadcast %sub3A : i32 to vector<16xi32>
    %sub3A_7 = arith.subi %sub3A_6, %mul3A_5 : vector<16xi32>
    %max3A = arith.constant 0 : i32
    %max3A_8 = vector.broadcast %max3A : i32 to vector<16xi32>
    %max3A_9 = arith.maxsi %sub3A_7, %max3A_8 : vector<16xi32>
    %mul3A_10 = arith.constant 2 : i32
    %mul3A_11 = vector.broadcast %mul3A_10 : i32 to vector<16xi32>
    %mul3A_12 = arith.muli %mul3A_11, %iota3A : vector<16xi32>
    %sub3A_13 = arith.constant 15 : i32
    %sub3A_14 = vector.broadcast %sub3A_13 : i32 to vector<16xi32>
    %sub3A_15 = arith.subi %sub3A_14, %mul3A_12 : vector<16xi32>
    %max3A_16 = arith.constant 0 : i32
    %max3A_17 = vector.broadcast %max3A_16 : i32 to vector<16xi32>
    %max3A_18 = arith.maxsi %sub3A_15, %max3A_17 : vector<16xi32>
    %gather3A = tpu.vector_load_idx %arg31[%max3A_9] : memref<16xf32, #tpu.memory_space<vmem>>[vector<16xi32>], vector<16xf32>,
    %gather3A_19 = tpu.vector_load_idx %arg31[%max3A_18] : memref<16xf32, #tpu.memory_space<vmem>>[vector<16xi32>], vector<16xf32>,
    %mul3A_20 = arith.mulf %gather3A, %gather3A_19 : vector<16xf32>
    %abs3A = math.absf %mul3A_20 : vector<16xf32>
    %lt3A = arith.constant 8 : i32
    %lt3A_21 = vector.broadcast %lt3A : i32 to vector<16xi32>
    %lt3A_22 = arith.cmpi slt, %iota3A, %lt3A_21 : vector<16xi32>
    %jit3A = arith.constant 0.000000e+00 : f32
    %broadcast_in_dim3A = vector.broadcast %jit3A : f32 to vector<16xf32>
    %select_n3A = arith.select %lt3A_22, %abs3A, %broadcast_in_dim3A : vector<16xi1>, vector<16xf32>
    %le3A = arith.constant 9.99999971E-10 : f32
    %le3A_23 = vector.broadcast %le3A : f32 to vector<16xf32>
    %le3A_24 = arith.cmpf ole, %select_n3A, %le3A_23 : vector<16xf32>
    %jit3A_25 = arith.constant 0.000000e+00 : f32
    %broadcast_in_dim3A_26 = vector.broadcast %jit3A_25 : f32 to vector<16xf32>
    %select_n3A_27 = arith.select %le3A_24, %broadcast_in_dim3A_26, %select_n3A : vector<16xi1>, vector<16xf32>
    %reduce_sum3A = arith.constant true
    %reduce_sum3A_28 = vector.broadcast %reduce_sum3A : i1 to vector<16xi1>
    %reduce_sum3A_29 = tpu.scan <sum>, %select_n3A_27 masked %reduce_sum3A_28 : vector<16xf32>, vector<16xi1> -> vector<16xf32>
    %reduce_sum3A_30 = vector.extract %reduce_sum3A_29[15] : f32 from vector<16xf32>
    %abs3A_31 = math.absf %reduce_sum3A_30 : f32
    %le3A_32 = arith.constant 9.99999971E-10 : f32
    %le3A_33 = arith.cmpf ole, %abs3A_31, %le3A_32 : f32
    %jit3A_34 = arith.constant 1.000000e+00 : f32
    %select_n3A_35 = arith.select %le3A_33, %jit3A_34, %reduce_sum3A_30 : f32
    %div3A = vector.broadcast %select_n3A_35 : f32 to vector<16xf32>
    %div3A_36 = arith.divf %select_n3A_27, %div3A : vector<16xf32>
    %abs3A_37 = math.absf %div3A_36 : vector<16xf32>
    %le3A_38 = arith.constant 9.99999971E-10 : f32
    %le3A_39 = vector.broadcast %le3A_38 : f32 to vector<16xf32>
    %le3A_40 = arith.cmpf ole, %abs3A_37, %le3A_39 : vector<16xf32>
    %jit3A_41 = arith.constant 0.000000e+00 : f32
    %broadcast_in_dim3A_42 = vector.broadcast %jit3A_41 : f32 to vector<16xf32>
    %select_n3A_43 = arith.select %le3A_40, %broadcast_in_dim3A_42, %div3A_36 : vector<16xi1>, vector<16xf32>
    %jit3A_44 = arith.constant 1.000000e+00 : f32
    %jit3A_45 = arith.constant 0.000000e+00 : f32
    %select_n3A_46 = arith.select %le3A_33, %jit3A_44, %jit3A_45 : f32
    %eq3A = arith.constant 0 : i32
    %eq3A_47 = vector.broadcast %eq3A : i32 to vector<16xi32>
    %eq3A_48 = arith.cmpi eq, %iota3A, %eq3A_47 : vector<16xi32>
    %jit3A_49 = arith.constant 1.000000e+00 : f32
    %jit3A_50 = arith.constant 0.000000e+00 : f32
    %broadcast_in_dim3A_51 = vector.broadcast %jit3A_49 : f32 to vector<16xf32>
    %broadcast_in_dim3A_52 = vector.broadcast %jit3A_50 : f32 to vector<16xf32>
    %select_n3A_53 = arith.select %eq3A_48, %broadcast_in_dim3A_51, %broadcast_in_dim3A_52 : vector<16xi1>, vector<16xf32>
    %sub3A_54 = arith.constant 1.000000e+00 : f32
    %sub3A_55 = arith.subf %sub3A_54, %select_n3A_46 : f32
    %mul3A_56 = vector.broadcast %sub3A_55 : f32 to vector<16xf32>
    %mul3A_57 = arith.mulf %select_n3A_43, %mul3A_56 : vector<16xf32>
    %mul3A_58 = vector.broadcast %select_n3A_46 : f32 to vector<16xf32>
    %mul3A_59 = arith.mulf %select_n3A_53, %mul3A_58 : vector<16xf32>
    %add3A_60 = arith.addf %mul3A_57, %mul3A_59 : vector<16xf32>
    %broadcast_in_dim3A_61 = arith.constant 0.000000e+00 : f32
    %broadcast_in_dim3A_62 = vector.broadcast %broadcast_in_dim3A_61 : f32 to vector<16xf32>
    %slice3A = vector.extract_strided_slice %add3A_60 {offsets = [0], sizes = [1], strides = [1]} : vector<16xf32> to vector<1xf32>
    %squeeze3A = vector.extract %slice3A[0] : f32 from vector<1xf32>
    %add3A_63 = vector.broadcast %squeeze3A : f32 to vector<16xf32>
    %add3A_64 = arith.addf %broadcast_in_dim3A_62, %add3A_63 : vector<16xf32>
    %slice3A_65 = vector.extract_strided_slice %add3A_60 {offsets = [1], sizes = [1], strides = [1]} : vector<16xf32> to vector<1xf32>
    %squeeze3A_66 = vector.extract %slice3A_65[0] : f32 from vector<1xf32>
    %add3A_67 = vector.broadcast %squeeze3A_66 : f32 to vector<16xf32>
    %add3A_68 = arith.addf %broadcast_in_dim3A_62, %add3A_67 : vector<16xf32>
    %slice3A_69 = vector.extract_strided_slice %add3A_60 {offsets = [2], sizes = [1], strides = [1]} : vector<16xf32> to vector<1xf32>
    %squeeze3A_70 = vector.extract %slice3A_69[0] : f32 from vector<1xf32>
    %add3A_71 = vector.broadcast %squeeze3A_70 : f32 to vector<16xf32>
    %add3A_72 = arith.addf %broadcast_in_dim3A_62, %add3A_71 : vector<16xf32>
    %slice3A_73 = vector.extract_strided_slice %add3A_60 {offsets = [3], sizes = [1], strides = [1]} : vector<16xf32> to vector<1xf32>
    %squeeze3A_74 = vector.extract %slice3A_73[0] : f32 from vector<1xf32>
    %add3A_75 = vector.broadcast %squeeze3A_74 : f32 to vector<16xf32>
    %add3A_76 = arith.addf %broadcast_in_dim3A_62, %add3A_75 : vector<16xf32>
    %slice3A_77 = vector.extract_strided_slice %add3A_60 {offsets = [4], sizes = [1], strides = [1]} : vector<16xf32> to vector<1xf32>
    %squeeze3A_78 = vector.extract %slice3A_77[0] : f32 from vector<1xf32>
    %add3A_79 = vector.broadcast %squeeze3A_78 : f32 to vector<16xf32>
    %add3A_80 = arith.addf %broadcast_in_dim3A_62, %add3A_79 : vector<16xf32>
    %slice3A_81 = vector.extract_strided_slice %add3A_60 {offsets = [5], sizes = [1], strides = [1]} : vector<16xf32> to vector<1xf32>
    %squeeze3A_82 = vector.extract %slice3A_81[0] : f32 from vector<1xf32>
    %add3A_83 = vector.broadcast %squeeze3A_82 : f32 to vector<16xf32>
    %add3A_84 = arith.addf %broadcast_in_dim3A_62, %add3A_83 : vector<16xf32>
    %slice3A_85 = vector.extract_strided_slice %add3A_60 {offsets = [6], sizes = [1], strides = [1]} : vector<16xf32> to vector<1xf32>
    %squeeze3A_86 = vector.extract %slice3A_85[0] : f32 from vector<1xf32>
    %add3A_87 = vector.broadcast %squeeze3A_86 : f32 to vector<16xf32>
    %add3A_88 = arith.addf %broadcast_in_dim3A_62, %add3A_87 : vector<16xf32>
    %slice3A_89 = vector.extract_strided_slice %add3A_60 {offsets = [7], sizes = [1], strides = [1]} : vector<16xf32> to vector<1xf32>
    %squeeze3A_90 = vector.extract %slice3A_89[0] : f32 from vector<1xf32>
    %add3A_91 = vector.broadcast %squeeze3A_90 : f32 to vector<16xf32>
    %add3A_92 = arith.addf %broadcast_in_dim3A_62, %add3A_91 : vector<16xf32>
    %broadcast_in_dim3A_93 = arith.constant 0 : i32
    %broadcast_in_dim3A_94 = vector.broadcast %broadcast_in_dim3A_93 : i32 to vector<16xi32>
    %get3A = arith.constant 0 : index
    %get3A_95 = tpu.vector_load %arg31[%get3A] {strides = array<i32>} : memref<16xf32, #tpu.memory_space<vmem>>, vector<16xf32>,
    %add3A_96 = arith.constant 0x4B400000 : f32
    %add3A_97 = vector.broadcast %add3A_96 : f32 to vector<16xf32>
    %add3A_98 = arith.addf %get3A_95, %add3A_97 : vector<16xf32>
    %sub3A_99 = arith.constant 0x4B400000 : f32
    %sub3A_100 = vector.broadcast %sub3A_99 : f32 to vector<16xf32>
    %sub3A_101 = arith.subf %add3A_98, %sub3A_100 : vector<16xf32>
    %convert_element_type3A = arith.fptosi %sub3A_101 : vector<16xf32> to vector<16xi32>
    %slice3A_102 = vector.extract_strided_slice %convert_element_type3A {offsets = [0], sizes = [1], strides = [1]} : vector<16xi32> to vector<1xi32>
    %squeeze3A_103 = vector.extract %slice3A_102[0] : i32 from vector<1xi32>
    %slice3A_104 = vector.extract_strided_slice %convert_element_type3A {offsets = [2], sizes = [1], strides = [1]} : vector<16xi32> to vector<1xi32>
    %squeeze3A_105 = vector.extract %slice3A_104[0] : i32 from vector<1xi32>
    %slice3A_106 = vector.extract_strided_slice %convert_element_type3A {offsets = [4], sizes = [1], strides = [1]} : vector<16xi32> to vector<1xi32>
    %squeeze3A_107 = vector.extract %slice3A_106[0] : i32 from vector<1xi32>
    %slice3A_108 = vector.extract_strided_slice %convert_element_type3A {offsets = [6], sizes = [1], strides = [1]} : vector<16xi32> to vector<1xi32>
    %squeeze3A_109 = vector.extract %slice3A_108[0] : i32 from vector<1xi32>
    %slice3A_110 = vector.extract_strided_slice %convert_element_type3A {offsets = [8], sizes = [1], strides = [1]} : vector<16xi32> to vector<1xi32>
    %squeeze3A_111 = vector.extract %slice3A_110[0] : i32 from vector<1xi32>
    %slice3A_112 = vector.extract_strided_slice %convert_element_type3A {offsets = [10], sizes = [1], strides = [1]} : vector<16xi32> to vector<1xi32>
    %squeeze3A_113 = vector.extract %slice3A_112[0] : i32 from vector<1xi32>
    %slice3A_114 = vector.extract_strided_slice %convert_element_type3A {offsets = [12], sizes = [1], strides = [1]} : vector<16xi32> to vector<1xi32>
    %squeeze3A_115 = vector.extract %slice3A_114[0] : i32 from vector<1xi32>
    %slice3A_116 = vector.extract_strided_slice %convert_element_type3A {offsets = [14], sizes = [1], strides = [1]} : vector<16xi32> to vector<1xi32>
    %squeeze3A_117 = vector.extract %slice3A_116[0] : i32 from vector<1xi32>
    %slice3A_118 = vector.extract_strided_slice %convert_element_type3A {offsets = [1], sizes = [1], strides = [1]} : vector<16xi32> to vector<1xi32>
    %squeeze3A_119 = vector.extract %slice3A_118[0] : i32 from vector<1xi32>
    %slice3A_120 = vector.extract_strided_slice %convert_element_type3A {offsets = [3], sizes = [1], strides = [1]} : vector<16xi32> to vector<1xi32>
    %squeeze3A_121 = vector.extract %slice3A_120[0] : i32 from vector<1xi32>
    %slice3A_122 = vector.extract_strided_slice %convert_element_type3A {offsets = [5], sizes = [1], strides = [1]} : vector<16xi32> to vector<1xi32>
    %squeeze3A_123 = vector.extract %slice3A_122[0] : i32 from vector<1xi32>
    %slice3A_124 = vector.extract_strided_slice %convert_element_type3A {offsets = [7], sizes = [1], strides = [1]} : vector<16xi32> to vector<1xi32>
    %squeeze3A_125 = vector.extract %slice3A_124[0] : i32 from vector<1xi32>
    %slice3A_126 = vector.extract_strided_slice %convert_element_type3A {offsets = [9], sizes = [1], strides = [1]} : vector<16xi32> to vector<1xi32>
    %squeeze3A_127 = vector.extract %slice3A_126[0] : i32 from vector<1xi32>
    %slice3A_128 = vector.extract_strided_slice %convert_element_type3A {offsets = [11], sizes = [1], strides = [1]} : vector<16xi32> to vector<1xi32>
    %squeeze3A_129 = vector.extract %slice3A_128[0] : i32 from vector<1xi32>
    %slice3A_130 = vector.extract_strided_slice %convert_element_type3A {offsets = [13], sizes = [1], strides = [1]} : vector<16xi32> to vector<1xi32>
    %squeeze3A_131 = vector.extract %slice3A_130[0] : i32 from vector<1xi32>
    %slice3A_132 = vector.extract_strided_slice %convert_element_type3A {offsets = [15], sizes = [1], strides = [1]} : vector<16xi32> to vector<1xi32>
    %squeeze3A_133 = vector.extract %slice3A_132[0] : i32 from vector<1xi32>
    %add3A_134 = arith.addi %mul3A_2, %squeeze3A_103 : i32
    %add3A_135 = vector.broadcast %add3A_134 : i32 to vector<16xi32>
    %add3A_136 = arith.addi %iota3A, %add3A_135 : vector<16xi32>
    %jit3A_137 = arith.constant 0 : i32
    %jit3A_138 = arith.constant 511 : i32
    %max3A_139 = vector.broadcast %jit3A_137 : i32 to vector<16xi32>
    %max3A_140 = arith.maxsi %max3A_139, %add3A_136 : vector<16xi32>
    %min3A = vector.broadcast %jit3A_138 : i32 to vector<16xi32>
    %min3A_141 = arith.minsi %min3A, %max3A_140 : vector<16xi32>
    %add3A_142 = arith.constant 0 : i32
    %add3A_143 = vector.broadcast %add3A_142 : i32 to vector<16xi32>
    %add3A_144 = arith.addi %min3A_141, %add3A_143 : vector<16xi32>
    %swap3A = arith.constant 0 : index
    %swap3A_145 = tpu.vector_load %arg17[%swap3A] {strides = array<i32>} : memref<16xi32, #tpu.memory_space<vmem>>, vector<16xi32>,
    tpu.vector_store %arg17[%swap3A], %add3A_144 {strides = array<i32>} : memref<16xi32, #tpu.memory_space<vmem>>, vector<16xi32>,
    %dma_start3A = arith.constant 0 : i32
    %dma_start3A_146 = arith.constant 0 : i32
    %dma_start3A_147 = tpu.memref_slice %arg2[%dma_start3A, %dma_start3A_146] : memref<12288x512xf32, #tpu.memory_space<hbm>> -> memref<12288x512xf32, #tpu.memory_space<hbm>>
    tpu.enqueue_indirect_dma source(%dma_start3A_147 : memref<12288x512xf32, #tpu.memory_space<hbm>>) target(%arg5 : memref<16x512xf32, #tpu.memory_space<vmem>>) offsets(%arg17 : memref<16xi32, #tpu.memory_space<vmem>>) semaphore(%arg32 : memref<!tpu.dma_semaphore, #tpu.memory_space<semaphore_mem>>)
    %add3A_148 = arith.addi %mul3A_2, %squeeze3A_105 : i32
    %add3A_149 = vector.broadcast %add3A_148 : i32 to vector<16xi32>
    %add3A_150 = arith.addi %iota3A, %add3A_149 : vector<16xi32>
    %jit3A_151 = arith.constant 0 : i32
    %jit3A_152 = arith.constant 511 : i32
    %max3A_153 = vector.broadcast %jit3A_151 : i32 to vector<16xi32>
    %max3A_154 = arith.maxsi %max3A_153, %add3A_150 : vector<16xi32>
    %min3A_155 = vector.broadcast %jit3A_152 : i32 to vector<16xi32>
    %min3A_156 = arith.minsi %min3A_155, %max3A_154 : vector<16xi32>
    %add3A_157 = arith.constant 1536 : i32
    %add3A_158 = vector.broadcast %add3A_157 : i32 to vector<16xi32>
    %add3A_159 = arith.addi %min3A_156, %add3A_158 : vector<16xi32>
    %swap3A_160 = arith.constant 0 : index
    %swap3A_161 = tpu.vector_load %arg18[%swap3A_160] {strides = array<i32>} : memref<16xi32, #tpu.memory_space<vmem>>, vector<16xi32>,
    tpu.vector_store %arg18[%swap3A_160], %add3A_159 {strides = array<i32>} : memref<16xi32, #tpu.memory_space<vmem>>, vector<16xi32>,
    %dma_start3A_162 = arith.constant 0 : i32
    %dma_start3A_163 = arith.constant 0 : i32
    %dma_start3A_164 = tpu.memref_slice %arg2[%dma_start3A_162, %dma_start3A_163] : memref<12288x512xf32, #tpu.memory_space<hbm>> -> memref<12288x512xf32, #tpu.memory_space<hbm>>
    tpu.enqueue_indirect_dma source(%dma_start3A_164 : memref<12288x512xf32, #tpu.memory_space<hbm>>) target(%arg6 : memref<16x512xf32, #tpu.memory_space<vmem>>) offsets(%arg18 : memref<16xi32, #tpu.memory_space<vmem>>) semaphore(%arg33 : memref<!tpu.dma_semaphore, #tpu.memory_space<semaphore_mem>>)
    %add3A_165 = arith.addi %mul3A_2, %squeeze3A_107 : i32
    %add3A_166 = vector.broadcast %add3A_165 : i32 to vector<16xi32>
    %add3A_167 = arith.addi %iota3A, %add3A_166 : vector<16xi32>
    %jit3A_168 = arith.constant 0 : i32
    %jit3A_169 = arith.constant 511 : i32
    %max3A_170 = vector.broadcast %jit3A_168 : i32 to vector<16xi32>
    %max3A_171 = arith.maxsi %max3A_170, %add3A_167 : vector<16xi32>
    %min3A_172 = vector.broadcast %jit3A_169 : i32 to vector<16xi32>
    %min3A_173 = arith.minsi %min3A_172, %max3A_171 : vector<16xi32>
    %add3A_174 = arith.constant 3072 : i32
    %add3A_175 = vector.broadcast %add3A_174 : i32 to vector<16xi32>
    %add3A_176 = arith.addi %min3A_173, %add3A_175 : vector<16xi32>
    %swap3A_177 = arith.constant 0 : index
    %swap3A_178 = tpu.vector_load %arg19[%swap3A_177] {strides = array<i32>} : memref<16xi32, #tpu.memory_space<vmem>>, vector<16xi32>,
    tpu.vector_store %arg19[%swap3A_177], %add3A_176 {strides = array<i32>} : memref<16xi32, #tpu.memory_space<vmem>>, vector<16xi32>,
    %dma_start3A_179 = arith.constant 0 : i32
    %dma_start3A_180 = arith.constant 0 : i32
    %dma_start3A_181 = tpu.memref_slice %arg2[%dma_start3A_179, %dma_start3A_180] : memref<12288x512xf32, #tpu.memory_space<hbm>> -> memref<12288x512xf32, #tpu.memory_space<hbm>>
    tpu.enqueue_indirect_dma source(%dma_start3A_181 : memref<12288x512xf32, #tpu.memory_space<hbm>>) target(%arg7 : memref<16x512xf32, #tpu.memory_space<vmem>>) offsets(%arg19 : memref<16xi32, #tpu.memory_space<vmem>>) semaphore(%arg34 : memref<!tpu.dma_semaphore, #tpu.memory_space<semaphore_mem>>)
    %add3A_182 = arith.addi %mul3A_2, %squeeze3A_109 : i32
    %add3A_183 = vector.broadcast %add3A_182 : i32 to vector<16xi32>
    %add3A_184 = arith.addi %iota3A, %add3A_183 : vector<16xi32>
    %jit3A_185 = arith.constant 0 : i32
    %jit3A_186 = arith.constant 511 : i32
    %max3A_187 = vector.broadcast %jit3A_185 : i32 to vector<16xi32>
    %max3A_188 = arith.maxsi %max3A_187, %add3A_184 : vector<16xi32>
    %min3A_189 = vector.broadcast %jit3A_186 : i32 to vector<16xi32>
    %min3A_190 = arith.minsi %min3A_189, %max3A_188 : vector<16xi32>
    %add3A_191 = arith.constant 4608 : i32
    %add3A_192 = vector.broadcast %add3A_191 : i32 to vector<16xi32>
    %add3A_193 = arith.addi %min3A_190, %add3A_192 : vector<16xi32>
    %swap3A_194 = arith.constant 0 : index
    %swap3A_195 = tpu.vector_load %arg20[%swap3A_194] {strides = array<i32>} : memref<16xi32, #tpu.memory_space<vmem>>, vector<16xi32>,
    tpu.vector_store %arg20[%swap3A_194], %add3A_193 {strides = array<i32>} : memref<16xi32, #tpu.memory_space<vmem>>, vector<16xi32>,
    %dma_start3A_196 = arith.constant 0 : i32
    %dma_start3A_197 = arith.constant 0 : i32
    %dma_start3A_198 = tpu.memref_slice %arg2[%dma_start3A_196, %dma_start3A_197] : memref<12288x512xf32, #tpu.memory_space<hbm>> -> memref<12288x512xf32, #tpu.memory_space<hbm>>
    tpu.enqueue_indirect_dma source(%dma_start3A_198 : memref<12288x512xf32, #tpu.memory_space<hbm>>) target(%arg8 : memref<16x512xf32, #tpu.memory_space<vmem>>) offsets(%arg20 : memref<16xi32, #tpu.memory_space<vmem>>) semaphore(%arg35 : memref<!tpu.dma_semaphore, #tpu.memory_space<semaphore_mem>>)
    %add3A_199 = arith.addi %mul3A_2, %squeeze3A_111 : i32
    %add3A_200 = vector.broadcast %add3A_199 : i32 to vector<16xi32>
    %add3A_201 = arith.addi %iota3A, %add3A_200 : vector<16xi32>
    %jit3A_202 = arith.constant 0 : i32
    %jit3A_203 = arith.constant 511 : i32
    %max3A_204 = vector.broadcast %jit3A_202 : i32 to vector<16xi32>
    %max3A_205 = arith.maxsi %max3A_204, %add3A_201 : vector<16xi32>
    %min3A_206 = vector.broadcast %jit3A_203 : i32 to vector<16xi32>
    %min3A_207 = arith.minsi %min3A_206, %max3A_205 : vector<16xi32>
    %add3A_208 = arith.constant 6144 : i32
    %add3A_209 = vector.broadcast %add3A_208 : i32 to vector<16xi32>
    %add3A_210 = arith.addi %min3A_207, %add3A_209 : vector<16xi32>
    %swap3A_211 = arith.constant 0 : index
    %swap3A_212 = tpu.vector_load %arg21[%swap3A_211] {strides = array<i32>} : memref<16xi32, #tpu.memory_space<vmem>>, vector<16xi32>,
    tpu.vector_store %arg21[%swap3A_211], %add3A_210 {strides = array<i32>} : memref<16xi32, #tpu.memory_space<vmem>>, vector<16xi32>,
    %dma_start3A_213 = arith.constant 0 : i32
    %dma_start3A_214 = arith.constant 0 : i32
    %dma_start3A_215 = tpu.memref_slice %arg2[%dma_start3A_213, %dma_start3A_214] : memref<12288x512xf32, #tpu.memory_space<hbm>> -> memref<12288x512xf32, #tpu.memory_space<hbm>>
    tpu.enqueue_indirect_dma source(%dma_start3A_215 : memref<12288x512xf32, #tpu.memory_space<hbm>>) target(%arg9 : memref<16x512xf32, #tpu.memory_space<vmem>>) offsets(%arg21 : memref<16xi32, #tpu.memory_space<vmem>>) semaphore(%arg36 : memref<!tpu.dma_semaphore, #tpu.memory_space<semaphore_mem>>)
    %add3A_216 = arith.addi %mul3A_2, %squeeze3A_113 : i32
    %add3A_217 = vector.broadcast %add3A_216 : i32 to vector<16xi32>
    %add3A_218 = arith.addi %iota3A, %add3A_217 : vector<16xi32>
    %jit3A_219 = arith.constant 0 : i32
    %jit3A_220 = arith.constant 511 : i32
    %max3A_221 = vector.broadcast %jit3A_219 : i32 to vector<16xi32>
    %max3A_222 = arith.maxsi %max3A_221, %add3A_218 : vector<16xi32>
    %min3A_223 = vector.broadcast %jit3A_220 : i32 to vector<16xi32>
    %min3A_224 = arith.minsi %min3A_223, %max3A_222 : vector<16xi32>
    %add3A_225 = arith.constant 7680 : i32
    %add3A_226 = vector.broadcast %add3A_225 : i32 to vector<16xi32>
    %add3A_227 = arith.addi %min3A_224, %add3A_226 : vector<16xi32>
    %swap3A_228 = arith.constant 0 : index
    %swap3A_229 = tpu.vector_load %arg22[%swap3A_228] {strides = array<i32>} : memref<16xi32, #tpu.memory_space<vmem>>, vector<16xi32>,
    tpu.vector_store %arg22[%swap3A_228], %add3A_227 {strides = array<i32>} : memref<16xi32, #tpu.memory_space<vmem>>, vector<16xi32>,
    %dma_start3A_230 = arith.constant 0 : i32
    %dma_start3A_231 = arith.constant 0 : i32
    %dma_start3A_232 = tpu.memref_slice %arg2[%dma_start3A_230, %dma_start3A_231] : memref<12288x512xf32, #tpu.memory_space<hbm>> -> memref<12288x512xf32, #tpu.memory_space<hbm>>
    tpu.enqueue_indirect_dma source(%dma_start3A_232 : memref<12288x512xf32, #tpu.memory_space<hbm>>) target(%arg10 : memref<16x512xf32, #tpu.memory_space<vmem>>) offsets(%arg22 : memref<16xi32, #tpu.memory_space<vmem>>) semaphore(%arg37 : memref<!tpu.dma_semaphore, #tpu.memory_space<semaphore_mem>>)
    %add3A_233 = arith.addi %mul3A_2, %squeeze3A_115 : i32
    %add3A_234 = vector.broadcast %add3A_233 : i32 to vector<16xi32>
    %add3A_235 = arith.addi %iota3A, %add3A_234 : vector<16xi32>
    %jit3A_236 = arith.constant 0 : i32
    %jit3A_237 = arith.constant 511 : i32
    %max3A_238 = vector.broadcast %jit3A_236 : i32 to vector<16xi32>
    %max3A_239 = arith.maxsi %max3A_238, %add3A_235 : vector<16xi32>
    %min3A_240 = vector.broadcast %jit3A_237 : i32 to vector<16xi32>
    %min3A_241 = arith.minsi %min3A_240, %max3A_239 : vector<16xi32>
    %add3A_242 = arith.constant 9216 : i32
    %add3A_243 = vector.broadcast %add3A_242 : i32 to vector<16xi32>
    %add3A_244 = arith.addi %min3A_241, %add3A_243 : vector<16xi32>
    %swap3A_245 = arith.constant 0 : index
    %swap3A_246 = tpu.vector_load %arg23[%swap3A_245] {strides = array<i32>} : memref<16xi32, #tpu.memory_space<vmem>>, vector<16xi32>,
    tpu.vector_store %arg23[%swap3A_245], %add3A_244 {strides = array<i32>} : memref<16xi32, #tpu.memory_space<vmem>>, vector<16xi32>,
    %dma_start3A_247 = arith.constant 0 : i32
    %dma_start3A_248 = arith.constant 0 : i32
    %dma_start3A_249 = tpu.memref_slice %arg2[%dma_start3A_247, %dma_start3A_248] : memref<12288x512xf32, #tpu.memory_space<hbm>> -> memref<12288x512xf32, #tpu.memory_space<hbm>>
    tpu.enqueue_indirect_dma source(%dma_start3A_249 : memref<12288x512xf32, #tpu.memory_space<hbm>>) target(%arg11 : memref<16x512xf32, #tpu.memory_space<vmem>>) offsets(%arg23 : memref<16xi32, #tpu.memory_space<vmem>>) semaphore(%arg38 : memref<!tpu.dma_semaphore, #tpu.memory_space<semaphore_mem>>)
    %add3A_250 = arith.addi %mul3A_2, %squeeze3A_117 : i32
    %add3A_251 = vector.broadcast %add3A_250 : i32 to vector<16xi32>
    %add3A_252 = arith.addi %iota3A, %add3A_251 : vector<16xi32>
    %jit3A_253 = arith.constant 0 : i32
    %jit3A_254 = arith.constant 511 : i32
    %max3A_255 = vector.broadcast %jit3A_253 : i32 to vector<16xi32>
    %max3A_256 = arith.maxsi %max3A_255, %add3A_252 : vector<16xi32>
    %min3A_257 = vector.broadcast %jit3A_254 : i32 to vector<16xi32>
    %min3A_258 = arith.minsi %min3A_257, %max3A_256 : vector<16xi32>
    %add3A_259 = arith.constant 10752 : i32
    %add3A_260 = vector.broadcast %add3A_259 : i32 to vector<16xi32>
    %add3A_261 = arith.addi %min3A_258, %add3A_260 : vector<16xi32>
    %swap3A_262 = arith.constant 0 : index
    %swap3A_263 = tpu.vector_load %arg24[%swap3A_262] {strides = array<i32>} : memref<16xi32, #tpu.memory_space<vmem>>, vector<16xi32>,
    tpu.vector_store %arg24[%swap3A_262], %add3A_261 {strides = array<i32>} : memref<16xi32, #tpu.memory_space<vmem>>, vector<16xi32>,
    %dma_start3A_264 = arith.constant 0 : i32
    %dma_start3A_265 = arith.constant 0 : i32
    %dma_start3A_266 = tpu.memref_slice %arg2[%dma_start3A_264, %dma_start3A_265] : memref<12288x512xf32, #tpu.memory_space<hbm>> -> memref<12288x512xf32, #tpu.memory_space<hbm>>
    tpu.enqueue_indirect_dma source(%dma_start3A_266 : memref<12288x512xf32, #tpu.memory_space<hbm>>) target(%arg12 : memref<16x512xf32, #tpu.memory_space<vmem>>) offsets(%arg24 : memref<16xi32, #tpu.memory_space<vmem>>) semaphore(%arg39 : memref<!tpu.dma_semaphore, #tpu.memory_space<semaphore_mem>>)
    %add3A_267 = arith.addi %mul3A_2, %squeeze3A_103 : i32
    %add3A_268 = vector.broadcast %add3A_267 : i32 to vector<16xi32>
    %add3A_269 = arith.addi %iota3A, %add3A_268 : vector<16xi32>
    %jit3A_270 = arith.constant 0 : i32
    %jit3A_271 = arith.constant 511 : i32
    %max3A_272 = vector.broadcast %jit3A_270 : i32 to vector<16xi32>
    %max3A_273 = arith.maxsi %max3A_272, %add3A_269 : vector<16xi32>
    %min3A_274 = vector.broadcast %jit3A_271 : i32 to vector<16xi32>
    %min3A_275 = arith.minsi %min3A_274, %max3A_273 : vector<16xi32>
    %add3A_276 = arith.constant 512 : i32
    %add3A_277 = vector.broadcast %add3A_276 : i32 to vector<16xi32>
    %add3A_278 = arith.addi %min3A_275, %add3A_277 : vector<16xi32>
    %swap3A_279 = arith.constant 0 : index
    %swap3A_280 = tpu.vector_load %arg25[%swap3A_279] {strides = array<i32>} : memref<16xi32, #tpu.memory_space<vmem>>, vector<16xi32>,
    tpu.vector_store %arg25[%swap3A_279], %add3A_278 {strides = array<i32>} : memref<16xi32, #tpu.memory_space<vmem>>, vector<16xi32>,
    %dma_start3A_281 = arith.constant 0 : i32
    %dma_start3A_282 = arith.constant 0 : i32
    %dma_start3A_283 = tpu.memref_slice %arg2[%dma_start3A_281, %dma_start3A_282] : memref<12288x512xf32, #tpu.memory_space<hbm>> -> memref<12288x512xf32, #tpu.memory_space<hbm>>
    tpu.enqueue_indirect_dma source(%dma_start3A_283 : memref<12288x512xf32, #tpu.memory_space<hbm>>) target(%arg13 : memref<16x512xf32, #tpu.memory_space<vmem>>) offsets(%arg25 : memref<16xi32, #tpu.memory_space<vmem>>) semaphore(%arg40 : memref<!tpu.dma_semaphore, #tpu.memory_space<semaphore_mem>>)
    %add3A_284 = arith.addi %mul3A_2, %squeeze3A_105 : i32
    %add3A_285 = vector.broadcast %add3A_284 : i32 to vector<16xi32>
    %add3A_286 = arith.addi %iota3A, %add3A_285 : vector<16xi32>
    %jit3A_287 = arith.constant 0 : i32
    %jit3A_288 = arith.constant 511 : i32
    %max3A_289 = vector.broadcast %jit3A_287 : i32 to vector<16xi32>
    %max3A_290 = arith.maxsi %max3A_289, %add3A_286 : vector<16xi32>
    %min3A_291 = vector.broadcast %jit3A_288 : i32 to vector<16xi32>
    %min3A_292 = arith.minsi %min3A_291, %max3A_290 : vector<16xi32>
    %add3A_293 = arith.constant 2048 : i32
    %add3A_294 = vector.broadcast %add3A_293 : i32 to vector<16xi32>
    %add3A_295 = arith.addi %min3A_292, %add3A_294 : vector<16xi32>
    %swap3A_296 = arith.constant 0 : index
    %swap3A_297 = tpu.vector_load %arg26[%swap3A_296] {strides = array<i32>} : memref<16xi32, #tpu.memory_space<vmem>>, vector<16xi32>,
    tpu.vector_store %arg26[%swap3A_296], %add3A_295 {strides = array<i32>} : memref<16xi32, #tpu.memory_space<vmem>>, vector<16xi32>,
    %dma_start3A_298 = arith.constant 0 : i32
    %dma_start3A_299 = arith.constant 0 : i32
    %dma_start3A_300 = tpu.memref_slice %arg2[%dma_start3A_298, %dma_start3A_299] : memref<12288x512xf32, #tpu.memory_space<hbm>> -> memref<12288x512xf32, #tpu.memory_space<hbm>>
    tpu.enqueue_indirect_dma source(%dma_start3A_300 : memref<12288x512xf32, #tpu.memory_space<hbm>>) target(%arg14 : memref<16x512xf32, #tpu.memory_space<vmem>>) offsets(%arg26 : memref<16xi32, #tpu.memory_space<vmem>>) semaphore(%arg41 : memref<!tpu.dma_semaphore, #tpu.memory_space<semaphore_mem>>)
    %add3A_301 = arith.addi %mul3A_2, %squeeze3A_107 : i32
    %add3A_302 = vector.broadcast %add3A_301 : i32 to vector<16xi32>
    %add3A_303 = arith.addi %iota3A, %add3A_302 : vector<16xi32>
    %jit3A_304 = arith.constant 0 : i32
    %jit3A_305 = arith.constant 511 : i32
    %max3A_306 = vector.broadcast %jit3A_304 : i32 to vector<16xi32>
    %max3A_307 = arith.maxsi %max3A_306, %add3A_303 : vector<16xi32>
    %min3A_308 = vector.broadcast %jit3A_305 : i32 to vector<16xi32>
    %min3A_309 = arith.minsi %min3A_308, %max3A_307 : vector<16xi32>
    %add3A_310 = arith.constant 3584 : i32
    %add3A_311 = vector.broadcast %add3A_310 : i32 to vector<16xi32>
    %add3A_312 = arith.addi %min3A_309, %add3A_311 : vector<16xi32>
    %swap3A_313 = arith.constant 0 : index
    %swap3A_314 = tpu.vector_load %arg27[%swap3A_313] {strides = array<i32>} : memref<16xi32, #tpu.memory_space<vmem>>, vector<16xi32>,
    tpu.vector_store %arg27[%swap3A_313], %add3A_312 {strides = array<i32>} : memref<16xi32, #tpu.memory_space<vmem>>, vector<16xi32>,
    %dma_start3A_315 = arith.constant 0 : i32
    %dma_start3A_316 = arith.constant 0 : i32
    %dma_start3A_317 = tpu.memref_slice %arg2[%dma_start3A_315, %dma_start3A_316] : memref<12288x512xf32, #tpu.memory_space<hbm>> -> memref<12288x512xf32, #tpu.memory_space<hbm>>
    tpu.enqueue_indirect_dma source(%dma_start3A_317 : memref<12288x512xf32, #tpu.memory_space<hbm>>) target(%arg15 : memref<16x512xf32, #tpu.memory_space<vmem>>) offsets(%arg27 : memref<16xi32, #tpu.memory_space<vmem>>) semaphore(%arg42 : memref<!tpu.dma_semaphore, #tpu.memory_space<semaphore_mem>>)
    %add3A_318 = arith.addi %mul3A_2, %squeeze3A_109 : i32
    %add3A_319 = vector.broadcast %add3A_318 : i32 to vector<16xi32>
    %add3A_320 = arith.addi %iota3A, %add3A_319 : vector<16xi32>
    %jit3A_321 = arith.constant 0 : i32
    %jit3A_322 = arith.constant 511 : i32
    %max3A_323 = vector.broadcast %jit3A_321 : i32 to vector<16xi32>
    %max3A_324 = arith.maxsi %max3A_323, %add3A_320 : vector<16xi32>
    %min3A_325 = vector.broadcast %jit3A_322 : i32 to vector<16xi32>
    %min3A_326 = arith.minsi %min3A_325, %max3A_324 : vector<16xi32>
    %add3A_327 = arith.constant 5120 : i32
    %add3A_328 = vector.broadcast %add3A_327 : i32 to vector<16xi32>
    %add3A_329 = arith.addi %min3A_326, %add3A_328 : vector<16xi32>
    %swap3A_330 = arith.constant 0 : index
    %swap3A_331 = tpu.vector_load %arg28[%swap3A_330] {strides = array<i32>} : memref<16xi32, #tpu.memory_space<vmem>>, vector<16xi32>,
    tpu.vector_store %arg28[%swap3A_330], %add3A_329 {strides = array<i32>} : memref<16xi32, #tpu.memory_space<vmem>>, vector<16xi32>,
    %dma_start3A_332 = arith.constant 0 : i32
    %dma_start3A_333 = arith.constant 0 : i32
    %dma_start3A_334 = tpu.memref_slice %arg2[%dma_start3A_332, %dma_start3A_333] : memref<12288x512xf32, #tpu.memory_space<hbm>> -> memref<12288x512xf32, #tpu.memory_space<hbm>>
    tpu.enqueue_indirect_dma source(%dma_start3A_334 : memref<12288x512xf32, #tpu.memory_space<hbm>>) target(%arg16 : memref<16x512xf32, #tpu.memory_space<vmem>>) offsets(%arg28 : memref<16xi32, #tpu.memory_space<vmem>>) semaphore(%arg43 : memref<!tpu.dma_semaphore, #tpu.memory_space<semaphore_mem>>)
    %dma_wait3A = arith.constant 0 : i32
    %dma_wait3A_335 = arith.constant 0 : i32
    %dma_wait3A_336 = tpu.memref_slice %arg2[%dma_wait3A, %dma_wait3A_335] : memref<12288x512xf32, #tpu.memory_space<hbm>> -> memref<12288x512xf32, #tpu.memory_space<hbm>>
    tpu.wait_indirect_dma semaphore(%arg32 : memref<!tpu.dma_semaphore, #tpu.memory_space<semaphore_mem>>) src(%dma_wait3A_336 : memref<12288x512xf32, #tpu.memory_space<hbm>>) dst(%arg5 : memref<16x512xf32, #tpu.memory_space<vmem>>)
    %dma_wait3A_337 = arith.constant 0 : i32
    %dma_wait3A_338 = arith.constant 0 : i32
    %dma_wait3A_339 = tpu.memref_slice %arg2[%dma_wait3A_337, %dma_wait3A_338] : memref<12288x512xf32, #tpu.memory_space<hbm>> -> memref<12288x512xf32, #tpu.memory_space<hbm>>
    tpu.wait_indirect_dma semaphore(%arg33 : memref<!tpu.dma_semaphore, #tpu.memory_space<semaphore_mem>>) src(%dma_wait3A_339 : memref<12288x512xf32, #tpu.memory_space<hbm>>) dst(%arg6 : memref<16x512xf32, #tpu.memory_space<vmem>>)
    %dma_wait3A_340 = arith.constant 0 : i32
    %dma_wait3A_341 = arith.constant 0 : i32
    %dma_wait3A_342 = tpu.memref_slice %arg2[%dma_wait3A_340, %dma_wait3A_341] : memref<12288x512xf32, #tpu.memory_space<hbm>> -> memref<12288x512xf32, #tpu.memory_space<hbm>>
    tpu.wait_indirect_dma semaphore(%arg34 : memref<!tpu.dma_semaphore, #tpu.memory_space<semaphore_mem>>) src(%dma_wait3A_342 : memref<12288x512xf32, #tpu.memory_space<hbm>>) dst(%arg7 : memref<16x512xf32, #tpu.memory_space<vmem>>)
    %dma_wait3A_343 = arith.constant 0 : i32
    %dma_wait3A_344 = arith.constant 0 : i32
    %dma_wait3A_345 = tpu.memref_slice %arg2[%dma_wait3A_343, %dma_wait3A_344] : memref<12288x512xf32, #tpu.memory_space<hbm>> -> memref<12288x512xf32, #tpu.memory_space<hbm>>
    tpu.wait_indirect_dma semaphore(%arg35 : memref<!tpu.dma_semaphore, #tpu.memory_space<semaphore_mem>>) src(%dma_wait3A_345 : memref<12288x512xf32, #tpu.memory_space<hbm>>) dst(%arg8 : memref<16x512xf32, #tpu.memory_space<vmem>>)
    %dma_wait3A_346 = arith.constant 0 : i32
    %dma_wait3A_347 = arith.constant 0 : i32
    %dma_wait3A_348 = tpu.memref_slice %arg2[%dma_wait3A_346, %dma_wait3A_347] : memref<12288x512xf32, #tpu.memory_space<hbm>> -> memref<12288x512xf32, #tpu.memory_space<hbm>>
    tpu.wait_indirect_dma semaphore(%arg36 : memref<!tpu.dma_semaphore, #tpu.memory_space<semaphore_mem>>) src(%dma_wait3A_348 : memref<12288x512xf32, #tpu.memory_space<hbm>>) dst(%arg9 : memref<16x512xf32, #tpu.memory_space<vmem>>)
    %dma_wait3A_349 = arith.constant 0 : i32
    %dma_wait3A_350 = arith.constant 0 : i32
    %dma_wait3A_351 = tpu.memref_slice %arg2[%dma_wait3A_349, %dma_wait3A_350] : memref<12288x512xf32, #tpu.memory_space<hbm>> -> memref<12288x512xf32, #tpu.memory_space<hbm>>
    tpu.wait_indirect_dma semaphore(%arg37 : memref<!tpu.dma_semaphore, #tpu.memory_space<semaphore_mem>>) src(%dma_wait3A_351 : memref<12288x512xf32, #tpu.memory_space<hbm>>) dst(%arg10 : memref<16x512xf32, #tpu.memory_space<vmem>>)
    %dma_wait3A_352 = arith.constant 0 : i32
    %dma_wait3A_353 = arith.constant 0 : i32
    %dma_wait3A_354 = tpu.memref_slice %arg2[%dma_wait3A_352, %dma_wait3A_353] : memref<12288x512xf32, #tpu.memory_space<hbm>> -> memref<12288x512xf32, #tpu.memory_space<hbm>>
    tpu.wait_indirect_dma semaphore(%arg38 : memref<!tpu.dma_semaphore, #tpu.memory_space<semaphore_mem>>) src(%dma_wait3A_354 : memref<12288x512xf32, #tpu.memory_space<hbm>>) dst(%arg11 : memref<16x512xf32, #tpu.memory_space<vmem>>)
    %dma_wait3A_355 = arith.constant 0 : i32
    %dma_wait3A_356 = arith.constant 0 : i32
    %dma_wait3A_357 = tpu.memref_slice %arg2[%dma_wait3A_355, %dma_wait3A_356] : memref<12288x512xf32, #tpu.memory_space<hbm>> -> memref<12288x512xf32, #tpu.memory_space<hbm>>
    tpu.wait_indirect_dma semaphore(%arg39 : memref<!tpu.dma_semaphore, #tpu.memory_space<semaphore_mem>>) src(%dma_wait3A_357 : memref<12288x512xf32, #tpu.memory_space<hbm>>) dst(%arg12 : memref<16x512xf32, #tpu.memory_space<vmem>>)
    %parallel_loop3A = arith.constant 0 : i32
    %parallel_loop3A_358 = arith.constant 32 : i32
    %parallel_loop3A_359 = arith.constant 1 : i32
    scf.for %parallel_loop3A_650 = %parallel_loop3A to %parallel_loop3A_358 step %parallel_loop3A_359  : i32 {
      %parallel_loop3A_651 = arith.constant 16 : i32
      %parallel_loop3A_652 = arith.muli %parallel_loop3A_650, %parallel_loop3A_651 : i32
      %parallel_loop3A_653 = arith.addi %parallel_loop3A_652, %squeeze3A_119 : i32
      %parallel_loop3A_654 = vector.broadcast %parallel_loop3A_653 : i32 to vector<16xi32>
      %parallel_loop3A_655 = arith.addi %iota3A, %parallel_loop3A_654 : vector<16xi32>
      %parallel_loop3A_656 = arith.constant 0 : i32
      %parallel_loop3A_657 = arith.constant 511 : i32
      %parallel_loop3A_658 = vector.broadcast %parallel_loop3A_656 : i32 to vector<16xi32>
      %parallel_loop3A_659 = arith.maxsi %parallel_loop3A_658, %parallel_loop3A_655 : vector<16xi32>
      %parallel_loop3A_660 = vector.broadcast %parallel_loop3A_657 : i32 to vector<16xi32>
      %parallel_loop3A_661 = arith.minsi %parallel_loop3A_660, %parallel_loop3A_659 : vector<16xi32>
      %parallel_loop3A_662 = arith.addi %parallel_loop3A_652, %squeeze3A_121 : i32
      %parallel_loop3A_663 = vector.broadcast %parallel_loop3A_662 : i32 to vector<16xi32>
      %parallel_loop3A_664 = arith.addi %iota3A, %parallel_loop3A_663 : vector<16xi32>
      %parallel_loop3A_665 = arith.constant 0 : i32
      %parallel_loop3A_666 = arith.constant 511 : i32
      %parallel_loop3A_667 = vector.broadcast %parallel_loop3A_665 : i32 to vector<16xi32>
      %parallel_loop3A_668 = arith.maxsi %parallel_loop3A_667, %parallel_loop3A_664 : vector<16xi32>
      %parallel_loop3A_669 = vector.broadcast %parallel_loop3A_666 : i32 to vector<16xi32>
      %parallel_loop3A_670 = arith.minsi %parallel_loop3A_669, %parallel_loop3A_668 : vector<16xi32>
      %parallel_loop3A_671 = arith.addi %parallel_loop3A_652, %squeeze3A_123 : i32
      %parallel_loop3A_672 = vector.broadcast %parallel_loop3A_671 : i32 to vector<16xi32>
      %parallel_loop3A_673 = arith.addi %iota3A, %parallel_loop3A_672 : vector<16xi32>
      %parallel_loop3A_674 = arith.constant 0 : i32
      %parallel_loop3A_675 = arith.constant 511 : i32
      %parallel_loop3A_676 = vector.broadcast %parallel_loop3A_674 : i32 to vector<16xi32>
      %parallel_loop3A_677 = arith.maxsi %parallel_loop3A_676, %parallel_loop3A_673 : vector<16xi32>
      %parallel_loop3A_678 = vector.broadcast %parallel_loop3A_675 : i32 to vector<16xi32>
      %parallel_loop3A_679 = arith.minsi %parallel_loop3A_678, %parallel_loop3A_677 : vector<16xi32>
      %parallel_loop3A_680 = arith.addi %parallel_loop3A_652, %squeeze3A_125 : i32
      %parallel_loop3A_681 = vector.broadcast %parallel_loop3A_680 : i32 to vector<16xi32>
      %parallel_loop3A_682 = arith.addi %iota3A, %parallel_loop3A_681 : vector<16xi32>
      %parallel_loop3A_683 = arith.constant 0 : i32
      %parallel_loop3A_684 = arith.constant 511 : i32
      %parallel_loop3A_685 = vector.broadcast %parallel_loop3A_683 : i32 to vector<16xi32>
      %parallel_loop3A_686 = arith.maxsi %parallel_loop3A_685, %parallel_loop3A_682 : vector<16xi32>
      %parallel_loop3A_687 = vector.broadcast %parallel_loop3A_684 : i32 to vector<16xi32>
      %parallel_loop3A_688 = arith.minsi %parallel_loop3A_687, %parallel_loop3A_686 : vector<16xi32>
      %parallel_loop3A_689 = arith.addi %parallel_loop3A_652, %squeeze3A_127 : i32
      %parallel_loop3A_690 = vector.broadcast %parallel_loop3A_689 : i32 to vector<16xi32>
      %parallel_loop3A_691 = arith.addi %iota3A, %parallel_loop3A_690 : vector<16xi32>
      %parallel_loop3A_692 = arith.constant 0 : i32
      %parallel_loop3A_693 = arith.constant 511 : i32
      %parallel_loop3A_694 = vector.broadcast %parallel_loop3A_692 : i32 to vector<16xi32>
      %parallel_loop3A_695 = arith.maxsi %parallel_loop3A_694, %parallel_loop3A_691 : vector<16xi32>
      %parallel_loop3A_696 = vector.broadcast %parallel_loop3A_693 : i32 to vector<16xi32>
      %parallel_loop3A_697 = arith.minsi %parallel_loop3A_696, %parallel_loop3A_695 : vector<16xi32>
      %parallel_loop3A_698 = arith.addi %parallel_loop3A_652, %squeeze3A_129 : i32
      %parallel_loop3A_699 = vector.broadcast %parallel_loop3A_698 : i32 to vector<16xi32>
      %parallel_loop3A_700 = arith.addi %iota3A, %parallel_loop3A_699 : vector<16xi32>
      %parallel_loop3A_701 = arith.constant 0 : i32
      %parallel_loop3A_702 = arith.constant 511 : i32
      %parallel_loop3A_703 = vector.broadcast %parallel_loop3A_701 : i32 to vector<16xi32>
      %parallel_loop3A_704 = arith.maxsi %parallel_loop3A_703, %parallel_loop3A_700 : vector<16xi32>
      %parallel_loop3A_705 = vector.broadcast %parallel_loop3A_702 : i32 to vector<16xi32>
      %parallel_loop3A_706 = arith.minsi %parallel_loop3A_705, %parallel_loop3A_704 : vector<16xi32>
      %parallel_loop3A_707 = arith.addi %parallel_loop3A_652, %squeeze3A_131 : i32
      %parallel_loop3A_708 = vector.broadcast %parallel_loop3A_707 : i32 to vector<16xi32>
      %parallel_loop3A_709 = arith.addi %iota3A, %parallel_loop3A_708 : vector<16xi32>
      %parallel_loop3A_710 = arith.constant 0 : i32
      %parallel_loop3A_711 = arith.constant 511 : i32
      %parallel_loop3A_712 = vector.broadcast %parallel_loop3A_710 : i32 to vector<16xi32>
      %parallel_loop3A_713 = arith.maxsi %parallel_loop3A_712, %parallel_loop3A_709 : vector<16xi32>
      %parallel_loop3A_714 = vector.broadcast %parallel_loop3A_711 : i32 to vector<16xi32>
      %parallel_loop3A_715 = arith.minsi %parallel_loop3A_714, %parallel_loop3A_713 : vector<16xi32>
      %parallel_loop3A_716 = arith.addi %parallel_loop3A_652, %squeeze3A_133 : i32
      %parallel_loop3A_717 = vector.broadcast %parallel_loop3A_716 : i32 to vector<16xi32>
      %parallel_loop3A_718 = arith.addi %iota3A, %parallel_loop3A_717 : vector<16xi32>
      %parallel_loop3A_719 = arith.constant 0 : i32
      %parallel_loop3A_720 = arith.constant 511 : i32
      %parallel_loop3A_721 = vector.broadcast %parallel_loop3A_719 : i32 to vector<16xi32>
      %parallel_loop3A_722 = arith.maxsi %parallel_loop3A_721, %parallel_loop3A_718 : vector<16xi32>
      %parallel_loop3A_723 = vector.broadcast %parallel_loop3A_720 : i32 to vector<16xi32>
      %parallel_loop3A_724 = arith.minsi %parallel_loop3A_723, %parallel_loop3A_722 : vector<16xi32>
      %parallel_loop3A_725 = arith.constant 0 : i32
      %parallel_loop3A_726 = arith.constant 16 : i32
      %parallel_loop3A_727 = arith.constant 1 : i32
      scf.for %parallel_loop3A_728 = %parallel_loop3A_725 to %parallel_loop3A_726 step %parallel_loop3A_727  : i32 {
        %parallel_loop3A_729 = vector.broadcast %parallel_loop3A_728 : i32 to vector<16xi32>
        %parallel_loop3A_730 = arith.addi %broadcast_in_dim3A_94, %parallel_loop3A_729 : vector<16xi32>
        %parallel_loop3A_731 = tpu.vector_load_idx %arg5[%parallel_loop3A_730, %parallel_loop3A_661] : memref<16x512xf32, #tpu.memory_space<vmem>>[vector<16xi32>, vector<16xi32>], vector<16xf32>,
        %parallel_loop3A_732 = arith.mulf %add3A_64, %parallel_loop3A_731 : vector<16xf32>
        %parallel_loop3A_733 = tpu.vector_load_idx %arg6[%parallel_loop3A_730, %parallel_loop3A_670] : memref<16x512xf32, #tpu.memory_space<vmem>>[vector<16xi32>, vector<16xi32>], vector<16xf32>,
        %parallel_loop3A_734 = arith.mulf %add3A_68, %parallel_loop3A_733 : vector<16xf32>
        %parallel_loop3A_735 = arith.addf %parallel_loop3A_732, %parallel_loop3A_734 : vector<16xf32>
        %parallel_loop3A_736 = tpu.vector_load_idx %arg7[%parallel_loop3A_730, %parallel_loop3A_679] : memref<16x512xf32, #tpu.memory_space<vmem>>[vector<16xi32>, vector<16xi32>], vector<16xf32>,
        %parallel_loop3A_737 = arith.mulf %add3A_72, %parallel_loop3A_736 : vector<16xf32>
        %parallel_loop3A_738 = arith.addf %parallel_loop3A_735, %parallel_loop3A_737 : vector<16xf32>
        %parallel_loop3A_739 = tpu.vector_load_idx %arg8[%parallel_loop3A_730, %parallel_loop3A_688] : memref<16x512xf32, #tpu.memory_space<vmem>>[vector<16xi32>, vector<16xi32>], vector<16xf32>,
        %parallel_loop3A_740 = arith.mulf %add3A_76, %parallel_loop3A_739 : vector<16xf32>
        %parallel_loop3A_741 = arith.addf %parallel_loop3A_738, %parallel_loop3A_740 : vector<16xf32>
        %parallel_loop3A_742 = tpu.vector_load_idx %arg9[%parallel_loop3A_730, %parallel_loop3A_697] : memref<16x512xf32, #tpu.memory_space<vmem>>[vector<16xi32>, vector<16xi32>], vector<16xf32>,
        %parallel_loop3A_743 = arith.mulf %add3A_80, %parallel_loop3A_742 : vector<16xf32>
        %parallel_loop3A_744 = arith.addf %parallel_loop3A_741, %parallel_loop3A_743 : vector<16xf32>
        %parallel_loop3A_745 = tpu.vector_load_idx %arg10[%parallel_loop3A_730, %parallel_loop3A_706] : memref<16x512xf32, #tpu.memory_space<vmem>>[vector<16xi32>, vector<16xi32>], vector<16xf32>,
        %parallel_loop3A_746 = arith.mulf %add3A_84, %parallel_loop3A_745 : vector<16xf32>
        %parallel_loop3A_747 = arith.addf %parallel_loop3A_744, %parallel_loop3A_746 : vector<16xf32>
        %parallel_loop3A_748 = tpu.vector_load_idx %arg11[%parallel_loop3A_730, %parallel_loop3A_715] : memref<16x512xf32, #tpu.memory_space<vmem>>[vector<16xi32>, vector<16xi32>], vector<16xf32>,
        %parallel_loop3A_749 = arith.mulf %add3A_88, %parallel_loop3A_748 : vector<16xf32>
        %parallel_loop3A_750 = arith.addf %parallel_loop3A_747, %parallel_loop3A_749 : vector<16xf32>
        %parallel_loop3A_751 = tpu.vector_load_idx %arg12[%parallel_loop3A_730, %parallel_loop3A_724] : memref<16x512xf32, #tpu.memory_space<vmem>>[vector<16xi32>, vector<16xi32>], vector<16xf32>,
        %parallel_loop3A_752 = arith.mulf %add3A_92, %parallel_loop3A_751 : vector<16xf32>
        %parallel_loop3A_753 = arith.addf %parallel_loop3A_750, %parallel_loop3A_752 : vector<16xf32>
        %parallel_loop3A_754 = arith.index_cast %parallel_loop3A_728 : i32 to index
        %parallel_loop3A_755 = arith.index_cast %parallel_loop3A_652 : i32 to index
        %parallel_loop3A_756 = tpu.vector_load %arg29[%parallel_loop3A_754, %parallel_loop3A_755] {strides = array<i32>} : memref<16x512xf32, #tpu.memory_space<vmem>>, vector<16xf32>,
        tpu.vector_store %arg29[%parallel_loop3A_754, %parallel_loop3A_755], %parallel_loop3A_753 {strides = array<i32>} : memref<16x512xf32, #tpu.memory_space<vmem>>, vector<16xf32>,
      } {sc.loop_unroll_factor = 1 : i64, sc.parallel_access}
    } {sc.loop_unroll_factor = 1 : i64, sc.parallel_access}
    %add3A_360 = arith.addi %mul3A_2, %squeeze3A_111 : i32
    %add3A_361 = vector.broadcast %add3A_360 : i32 to vector<16xi32>
    %add3A_362 = arith.addi %iota3A, %add3A_361 : vector<16xi32>
    %jit3A_363 = arith.constant 0 : i32
    %jit3A_364 = arith.constant 511 : i32
    %max3A_365 = vector.broadcast %jit3A_363 : i32 to vector<16xi32>
    %max3A_366 = arith.maxsi %max3A_365, %add3A_362 : vector<16xi32>
    %min3A_367 = vector.broadcast %jit3A_364 : i32 to vector<16xi32>
    %min3A_368 = arith.minsi %min3A_367, %max3A_366 : vector<16xi32>
    %add3A_369 = arith.constant 6656 : i32
    %add3A_370 = vector.broadcast %add3A_369 : i32 to vector<16xi32>
    %add3A_371 = arith.addi %min3A_368, %add3A_370 : vector<16xi32>
    %swap3A_372 = arith.constant 0 : index
    %swap3A_373 = tpu.vector_load %arg17[%swap3A_372] {strides = array<i32>} : memref<16xi32, #tpu.memory_space<vmem>>, vector<16xi32>,
    tpu.vector_store %arg17[%swap3A_372], %add3A_371 {strides = array<i32>} : memref<16xi32, #tpu.memory_space<vmem>>, vector<16xi32>,
    %dma_start3A_374 = arith.constant 0 : i32
    %dma_start3A_375 = arith.constant 0 : i32
    %dma_start3A_376 = tpu.memref_slice %arg2[%dma_start3A_374, %dma_start3A_375] : memref<12288x512xf32, #tpu.memory_space<hbm>> -> memref<12288x512xf32, #tpu.memory_space<hbm>>
    tpu.enqueue_indirect_dma source(%dma_start3A_376 : memref<12288x512xf32, #tpu.memory_space<hbm>>) target(%arg5 : memref<16x512xf32, #tpu.memory_space<vmem>>) offsets(%arg17 : memref<16xi32, #tpu.memory_space<vmem>>) semaphore(%arg32 : memref<!tpu.dma_semaphore, #tpu.memory_space<semaphore_mem>>)
    %add3A_377 = arith.addi %mul3A_2, %squeeze3A_113 : i32
    %add3A_378 = vector.broadcast %add3A_377 : i32 to vector<16xi32>
    %add3A_379 = arith.addi %iota3A, %add3A_378 : vector<16xi32>
    %jit3A_380 = arith.constant 0 : i32
    %jit3A_381 = arith.constant 511 : i32
    %max3A_382 = vector.broadcast %jit3A_380 : i32 to vector<16xi32>
    %max3A_383 = arith.maxsi %max3A_382, %add3A_379 : vector<16xi32>
    %min3A_384 = vector.broadcast %jit3A_381 : i32 to vector<16xi32>
    %min3A_385 = arith.minsi %min3A_384, %max3A_383 : vector<16xi32>
    %add3A_386 = arith.constant 8192 : i32
    %add3A_387 = vector.broadcast %add3A_386 : i32 to vector<16xi32>
    %add3A_388 = arith.addi %min3A_385, %add3A_387 : vector<16xi32>
    %swap3A_389 = arith.constant 0 : index
    %swap3A_390 = tpu.vector_load %arg18[%swap3A_389] {strides = array<i32>} : memref<16xi32, #tpu.memory_space<vmem>>, vector<16xi32>,
    tpu.vector_store %arg18[%swap3A_389], %add3A_388 {strides = array<i32>} : memref<16xi32, #tpu.memory_space<vmem>>, vector<16xi32>,
    %dma_start3A_391 = arith.constant 0 : i32
    %dma_start3A_392 = arith.constant 0 : i32
    %dma_start3A_393 = tpu.memref_slice %arg2[%dma_start3A_391, %dma_start3A_392] : memref<12288x512xf32, #tpu.memory_space<hbm>> -> memref<12288x512xf32, #tpu.memory_space<hbm>>
    tpu.enqueue_indirect_dma source(%dma_start3A_393 : memref<12288x512xf32, #tpu.memory_space<hbm>>) target(%arg6 : memref<16x512xf32, #tpu.memory_space<vmem>>) offsets(%arg18 : memref<16xi32, #tpu.memory_space<vmem>>) semaphore(%arg33 : memref<!tpu.dma_semaphore, #tpu.memory_space<semaphore_mem>>)
    %add3A_394 = arith.addi %mul3A_2, %squeeze3A_115 : i32
    %add3A_395 = vector.broadcast %add3A_394 : i32 to vector<16xi32>
    %add3A_396 = arith.addi %iota3A, %add3A_395 : vector<16xi32>
    %jit3A_397 = arith.constant 0 : i32
    %jit3A_398 = arith.constant 511 : i32
    %max3A_399 = vector.broadcast %jit3A_397 : i32 to vector<16xi32>
    %max3A_400 = arith.maxsi %max3A_399, %add3A_396 : vector<16xi32>
    %min3A_401 = vector.broadcast %jit3A_398 : i32 to vector<16xi32>
    %min3A_402 = arith.minsi %min3A_401, %max3A_400 : vector<16xi32>
    %add3A_403 = arith.constant 9728 : i32
    %add3A_404 = vector.broadcast %add3A_403 : i32 to vector<16xi32>
    %add3A_405 = arith.addi %min3A_402, %add3A_404 : vector<16xi32>
    %swap3A_406 = arith.constant 0 : index
    %swap3A_407 = tpu.vector_load %arg19[%swap3A_406] {strides = array<i32>} : memref<16xi32, #tpu.memory_space<vmem>>, vector<16xi32>,
    tpu.vector_store %arg19[%swap3A_406], %add3A_405 {strides = array<i32>} : memref<16xi32, #tpu.memory_space<vmem>>, vector<16xi32>,
    %dma_start3A_408 = arith.constant 0 : i32
    %dma_start3A_409 = arith.constant 0 : i32
    %dma_start3A_410 = tpu.memref_slice %arg2[%dma_start3A_408, %dma_start3A_409] : memref<12288x512xf32, #tpu.memory_space<hbm>> -> memref<12288x512xf32, #tpu.memory_space<hbm>>
    tpu.enqueue_indirect_dma source(%dma_start3A_410 : memref<12288x512xf32, #tpu.memory_space<hbm>>) target(%arg7 : memref<16x512xf32, #tpu.memory_space<vmem>>) offsets(%arg19 : memref<16xi32, #tpu.memory_space<vmem>>) semaphore(%arg34 : memref<!tpu.dma_semaphore, #tpu.memory_space<semaphore_mem>>)
    %add3A_411 = arith.addi %mul3A_2, %squeeze3A_117 : i32
    %add3A_412 = vector.broadcast %add3A_411 : i32 to vector<16xi32>
    %add3A_413 = arith.addi %iota3A, %add3A_412 : vector<16xi32>
    %jit3A_414 = arith.constant 0 : i32
    %jit3A_415 = arith.constant 511 : i32
    %max3A_416 = vector.broadcast %jit3A_414 : i32 to vector<16xi32>
    %max3A_417 = arith.maxsi %max3A_416, %add3A_413 : vector<16xi32>
    %min3A_418 = vector.broadcast %jit3A_415 : i32 to vector<16xi32>
    %min3A_419 = arith.minsi %min3A_418, %max3A_417 : vector<16xi32>
    %add3A_420 = arith.constant 11264 : i32
    %add3A_421 = vector.broadcast %add3A_420 : i32 to vector<16xi32>
    %add3A_422 = arith.addi %min3A_419, %add3A_421 : vector<16xi32>
    %swap3A_423 = arith.constant 0 : index
    %swap3A_424 = tpu.vector_load %arg20[%swap3A_423] {strides = array<i32>} : memref<16xi32, #tpu.memory_space<vmem>>, vector<16xi32>,
    tpu.vector_store %arg20[%swap3A_423], %add3A_422 {strides = array<i32>} : memref<16xi32, #tpu.memory_space<vmem>>, vector<16xi32>,
    %dma_start3A_425 = arith.constant 0 : i32
    %dma_start3A_426 = arith.constant 0 : i32
    %dma_start3A_427 = tpu.memref_slice %arg2[%dma_start3A_425, %dma_start3A_426] : memref<12288x512xf32, #tpu.memory_space<hbm>> -> memref<12288x512xf32, #tpu.memory_space<hbm>>
    tpu.enqueue_indirect_dma source(%dma_start3A_427 : memref<12288x512xf32, #tpu.memory_space<hbm>>) target(%arg8 : memref<16x512xf32, #tpu.memory_space<vmem>>) offsets(%arg20 : memref<16xi32, #tpu.memory_space<vmem>>) semaphore(%arg35 : memref<!tpu.dma_semaphore, #tpu.memory_space<semaphore_mem>>)
    %add3A_428 = arith.addi %mul3A_2, %squeeze3A_103 : i32
    %add3A_429 = vector.broadcast %add3A_428 : i32 to vector<16xi32>
    %add3A_430 = arith.addi %iota3A, %add3A_429 : vector<16xi32>
    %jit3A_431 = arith.constant 0 : i32
    %jit3A_432 = arith.constant 511 : i32
    %max3A_433 = vector.broadcast %jit3A_431 : i32 to vector<16xi32>
    %max3A_434 = arith.maxsi %max3A_433, %add3A_430 : vector<16xi32>
    %min3A_435 = vector.broadcast %jit3A_432 : i32 to vector<16xi32>
    %min3A_436 = arith.minsi %min3A_435, %max3A_434 : vector<16xi32>
    %add3A_437 = arith.constant 1024 : i32
    %add3A_438 = vector.broadcast %add3A_437 : i32 to vector<16xi32>
    %add3A_439 = arith.addi %min3A_436, %add3A_438 : vector<16xi32>
    %swap3A_440 = arith.constant 0 : index
    %swap3A_441 = tpu.vector_load %arg21[%swap3A_440] {strides = array<i32>} : memref<16xi32, #tpu.memory_space<vmem>>, vector<16xi32>,
    tpu.vector_store %arg21[%swap3A_440], %add3A_439 {strides = array<i32>} : memref<16xi32, #tpu.memory_space<vmem>>, vector<16xi32>,
    %dma_start3A_442 = arith.constant 0 : i32
    %dma_start3A_443 = arith.constant 0 : i32
    %dma_start3A_444 = tpu.memref_slice %arg2[%dma_start3A_442, %dma_start3A_443] : memref<12288x512xf32, #tpu.memory_space<hbm>> -> memref<12288x512xf32, #tpu.memory_space<hbm>>
    tpu.enqueue_indirect_dma source(%dma_start3A_444 : memref<12288x512xf32, #tpu.memory_space<hbm>>) target(%arg9 : memref<16x512xf32, #tpu.memory_space<vmem>>) offsets(%arg21 : memref<16xi32, #tpu.memory_space<vmem>>) semaphore(%arg36 : memref<!tpu.dma_semaphore, #tpu.memory_space<semaphore_mem>>)
    %add3A_445 = arith.addi %mul3A_2, %squeeze3A_105 : i32
    %add3A_446 = vector.broadcast %add3A_445 : i32 to vector<16xi32>
    %add3A_447 = arith.addi %iota3A, %add3A_446 : vector<16xi32>
    %jit3A_448 = arith.constant 0 : i32
    %jit3A_449 = arith.constant 511 : i32
    %max3A_450 = vector.broadcast %jit3A_448 : i32 to vector<16xi32>
    %max3A_451 = arith.maxsi %max3A_450, %add3A_447 : vector<16xi32>
    %min3A_452 = vector.broadcast %jit3A_449 : i32 to vector<16xi32>
    %min3A_453 = arith.minsi %min3A_452, %max3A_451 : vector<16xi32>
    %add3A_454 = arith.constant 2560 : i32
    %add3A_455 = vector.broadcast %add3A_454 : i32 to vector<16xi32>
    %add3A_456 = arith.addi %min3A_453, %add3A_455 : vector<16xi32>
    %swap3A_457 = arith.constant 0 : index
    %swap3A_458 = tpu.vector_load %arg22[%swap3A_457] {strides = array<i32>} : memref<16xi32, #tpu.memory_space<vmem>>, vector<16xi32>,
    tpu.vector_store %arg22[%swap3A_457], %add3A_456 {strides = array<i32>} : memref<16xi32, #tpu.memory_space<vmem>>, vector<16xi32>,
    %dma_start3A_459 = arith.constant 0 : i32
    %dma_start3A_460 = arith.constant 0 : i32
    %dma_start3A_461 = tpu.memref_slice %arg2[%dma_start3A_459, %dma_start3A_460] : memref<12288x512xf32, #tpu.memory_space<hbm>> -> memref<12288x512xf32, #tpu.memory_space<hbm>>
    tpu.enqueue_indirect_dma source(%dma_start3A_461 : memref<12288x512xf32, #tpu.memory_space<hbm>>) target(%arg10 : memref<16x512xf32, #tpu.memory_space<vmem>>) offsets(%arg22 : memref<16xi32, #tpu.memory_space<vmem>>) semaphore(%arg37 : memref<!tpu.dma_semaphore, #tpu.memory_space<semaphore_mem>>)
    %add3A_462 = arith.addi %mul3A_2, %squeeze3A_107 : i32
    %add3A_463 = vector.broadcast %add3A_462 : i32 to vector<16xi32>
    %add3A_464 = arith.addi %iota3A, %add3A_463 : vector<16xi32>
    %jit3A_465 = arith.constant 0 : i32
    %jit3A_466 = arith.constant 511 : i32
    %max3A_467 = vector.broadcast %jit3A_465 : i32 to vector<16xi32>
    %max3A_468 = arith.maxsi %max3A_467, %add3A_464 : vector<16xi32>
    %min3A_469 = vector.broadcast %jit3A_466 : i32 to vector<16xi32>
    %min3A_470 = arith.minsi %min3A_469, %max3A_468 : vector<16xi32>
    %add3A_471 = arith.constant 4096 : i32
    %add3A_472 = vector.broadcast %add3A_471 : i32 to vector<16xi32>
    %add3A_473 = arith.addi %min3A_470, %add3A_472 : vector<16xi32>
    %swap3A_474 = arith.constant 0 : index
    %swap3A_475 = tpu.vector_load %arg23[%swap3A_474] {strides = array<i32>} : memref<16xi32, #tpu.memory_space<vmem>>, vector<16xi32>,
    tpu.vector_store %arg23[%swap3A_474], %add3A_473 {strides = array<i32>} : memref<16xi32, #tpu.memory_space<vmem>>, vector<16xi32>,
    %dma_start3A_476 = arith.constant 0 : i32
    %dma_start3A_477 = arith.constant 0 : i32
    %dma_start3A_478 = tpu.memref_slice %arg2[%dma_start3A_476, %dma_start3A_477] : memref<12288x512xf32, #tpu.memory_space<hbm>> -> memref<12288x512xf32, #tpu.memory_space<hbm>>
    tpu.enqueue_indirect_dma source(%dma_start3A_478 : memref<12288x512xf32, #tpu.memory_space<hbm>>) target(%arg11 : memref<16x512xf32, #tpu.memory_space<vmem>>) offsets(%arg23 : memref<16xi32, #tpu.memory_space<vmem>>) semaphore(%arg38 : memref<!tpu.dma_semaphore, #tpu.memory_space<semaphore_mem>>)
    %add3A_479 = arith.addi %mul3A_2, %squeeze3A_109 : i32
    %add3A_480 = vector.broadcast %add3A_479 : i32 to vector<16xi32>
    %add3A_481 = arith.addi %iota3A, %add3A_480 : vector<16xi32>
    %jit3A_482 = arith.constant 0 : i32
    %jit3A_483 = arith.constant 511 : i32
    %max3A_484 = vector.broadcast %jit3A_482 : i32 to vector<16xi32>
    %max3A_485 = arith.maxsi %max3A_484, %add3A_481 : vector<16xi32>
    %min3A_486 = vector.broadcast %jit3A_483 : i32 to vector<16xi32>
    %min3A_487 = arith.minsi %min3A_486, %max3A_485 : vector<16xi32>
    %add3A_488 = arith.constant 5632 : i32
    %add3A_489 = vector.broadcast %add3A_488 : i32 to vector<16xi32>
    %add3A_490 = arith.addi %min3A_487, %add3A_489 : vector<16xi32>
    %swap3A_491 = arith.constant 0 : index
    %swap3A_492 = tpu.vector_load %arg24[%swap3A_491] {strides = array<i32>} : memref<16xi32, #tpu.memory_space<vmem>>, vector<16xi32>,
    tpu.vector_store %arg24[%swap3A_491], %add3A_490 {strides = array<i32>} : memref<16xi32, #tpu.memory_space<vmem>>, vector<16xi32>,
    %dma_start3A_493 = arith.constant 0 : i32
    %dma_start3A_494 = arith.constant 0 : i32
    %dma_start3A_495 = tpu.memref_slice %arg2[%dma_start3A_493, %dma_start3A_494] : memref<12288x512xf32, #tpu.memory_space<hbm>> -> memref<12288x512xf32, #tpu.memory_space<hbm>>
    tpu.enqueue_indirect_dma source(%dma_start3A_495 : memref<12288x512xf32, #tpu.memory_space<hbm>>) target(%arg12 : memref<16x512xf32, #tpu.memory_space<vmem>>) offsets(%arg24 : memref<16xi32, #tpu.memory_space<vmem>>) semaphore(%arg39 : memref<!tpu.dma_semaphore, #tpu.memory_space<semaphore_mem>>)
    %add3A_496 = arith.constant 0 : i32
    %add3A_497 = arith.addi %add3A_496, %mul3A_2 : i32
    %multiple_of3A = tpu.assume_multiple %add3A_497, 8 : i32
    %dma_start3A_498 = arith.constant 0 : i32
    %dma_start3A_499 = tpu.memref_slice %arg4[%multiple_of3A, %dma_start3A_498] : memref<1536x512xf32, #tpu.memory_space<hbm>> -> memref<16x512xf32, #tpu.memory_space<hbm>>
    %dma_start3A_500 = arith.constant 0 : i32
    %dma_start3A_501 = tpu.memref_slice %arg4[%multiple_of3A, %dma_start3A_500] : memref<1536x512xf32, #tpu.memory_space<hbm>> -> memref<16x512xf32, #tpu.memory_space<hbm>>
    tpu.enqueue_dma source(%arg29 : memref<16x512xf32, #tpu.memory_space<vmem>>) target(%dma_start3A_501 : memref<16x512xf32, #tpu.memory_space<hbm>>) target_semaphore(%arg44 : memref<!tpu.dma_semaphore, #tpu.memory_space<semaphore_mem>>)
    %dma_wait3A_502 = arith.constant 0 : i32
    %dma_wait3A_503 = arith.constant 0 : i32
    %dma_wait3A_504 = tpu.memref_slice %arg2[%dma_wait3A_502, %dma_wait3A_503] : memref<12288x512xf32, #tpu.memory_space<hbm>> -> memref<12288x512xf32, #tpu.memory_space<hbm>>
    tpu.wait_indirect_dma semaphore(%arg40 : memref<!tpu.dma_semaphore, #tpu.memory_space<semaphore_mem>>) src(%dma_wait3A_504 : memref<12288x512xf32, #tpu.memory_space<hbm>>) dst(%arg13 : memref<16x512xf32, #tpu.memory_space<vmem>>)
    %dma_wait3A_505 = arith.constant 0 : i32
    %dma_wait3A_506 = arith.constant 0 : i32
    %dma_wait3A_507 = tpu.memref_slice %arg2[%dma_wait3A_505, %dma_wait3A_506] : memref<12288x512xf32, #tpu.memory_space<hbm>> -> memref<12288x512xf32, #tpu.memory_space<hbm>>
    tpu.wait_indirect_dma semaphore(%arg41 : memref<!tpu.dma_semaphore, #tpu.memory_space<semaphore_mem>>) src(%dma_wait3A_507 : memref<12288x512xf32, #tpu.memory_space<hbm>>) dst(%arg14 : memref<16x512xf32, #tpu.memory_space<vmem>>)
    %dma_wait3A_508 = arith.constant 0 : i32
    %dma_wait3A_509 = arith.constant 0 : i32
    %dma_wait3A_510 = tpu.memref_slice %arg2[%dma_wait3A_508, %dma_wait3A_509] : memref<12288x512xf32, #tpu.memory_space<hbm>> -> memref<12288x512xf32, #tpu.memory_space<hbm>>
    tpu.wait_indirect_dma semaphore(%arg42 : memref<!tpu.dma_semaphore, #tpu.memory_space<semaphore_mem>>) src(%dma_wait3A_510 : memref<12288x512xf32, #tpu.memory_space<hbm>>) dst(%arg15 : memref<16x512xf32, #tpu.memory_space<vmem>>)
    %dma_wait3A_511 = arith.constant 0 : i32
    %dma_wait3A_512 = arith.constant 0 : i32
    %dma_wait3A_513 = tpu.memref_slice %arg2[%dma_wait3A_511, %dma_wait3A_512] : memref<12288x512xf32, #tpu.memory_space<hbm>> -> memref<12288x512xf32, #tpu.memory_space<hbm>>
    tpu.wait_indirect_dma semaphore(%arg43 : memref<!tpu.dma_semaphore, #tpu.memory_space<semaphore_mem>>) src(%dma_wait3A_513 : memref<12288x512xf32, #tpu.memory_space<hbm>>) dst(%arg16 : memref<16x512xf32, #tpu.memory_space<vmem>>)
    %dma_wait3A_514 = arith.constant 0 : i32
    %dma_wait3A_515 = arith.constant 0 : i32
    %dma_wait3A_516 = tpu.memref_slice %arg2[%dma_wait3A_514, %dma_wait3A_515] : memref<12288x512xf32, #tpu.memory_space<hbm>> -> memref<12288x512xf32, #tpu.memory_space<hbm>>
    tpu.wait_indirect_dma semaphore(%arg32 : memref<!tpu.dma_semaphore, #tpu.memory_space<semaphore_mem>>) src(%dma_wait3A_516 : memref<12288x512xf32, #tpu.memory_space<hbm>>) dst(%arg5 : memref<16x512xf32, #tpu.memory_space<vmem>>)
    %dma_wait3A_517 = arith.constant 0 : i32
    %dma_wait3A_518 = arith.constant 0 : i32
    %dma_wait3A_519 = tpu.memref_slice %arg2[%dma_wait3A_517, %dma_wait3A_518] : memref<12288x512xf32, #tpu.memory_space<hbm>> -> memref<12288x512xf32, #tpu.memory_space<hbm>>
    tpu.wait_indirect_dma semaphore(%arg33 : memref<!tpu.dma_semaphore, #tpu.memory_space<semaphore_mem>>) src(%dma_wait3A_519 : memref<12288x512xf32, #tpu.memory_space<hbm>>) dst(%arg6 : memref<16x512xf32, #tpu.memory_space<vmem>>)
    %dma_wait3A_520 = arith.constant 0 : i32
    %dma_wait3A_521 = arith.constant 0 : i32
    %dma_wait3A_522 = tpu.memref_slice %arg2[%dma_wait3A_520, %dma_wait3A_521] : memref<12288x512xf32, #tpu.memory_space<hbm>> -> memref<12288x512xf32, #tpu.memory_space<hbm>>
    tpu.wait_indirect_dma semaphore(%arg34 : memref<!tpu.dma_semaphore, #tpu.memory_space<semaphore_mem>>) src(%dma_wait3A_522 : memref<12288x512xf32, #tpu.memory_space<hbm>>) dst(%arg7 : memref<16x512xf32, #tpu.memory_space<vmem>>)
    %dma_wait3A_523 = arith.constant 0 : i32
    %dma_wait3A_524 = arith.constant 0 : i32
    %dma_wait3A_525 = tpu.memref_slice %arg2[%dma_wait3A_523, %dma_wait3A_524] : memref<12288x512xf32, #tpu.memory_space<hbm>> -> memref<12288x512xf32, #tpu.memory_space<hbm>>
    tpu.wait_indirect_dma semaphore(%arg35 : memref<!tpu.dma_semaphore, #tpu.memory_space<semaphore_mem>>) src(%dma_wait3A_525 : memref<12288x512xf32, #tpu.memory_space<hbm>>) dst(%arg8 : memref<16x512xf32, #tpu.memory_space<vmem>>)
    %parallel_loop3A_526 = arith.constant 0 : i32
    %parallel_loop3A_527 = arith.constant 32 : i32
    %parallel_loop3A_528 = arith.constant 1 : i32
    scf.for %parallel_loop3A_650 = %parallel_loop3A_526 to %parallel_loop3A_527 step %parallel_loop3A_528  : i32 {
      %parallel_loop3A_651 = arith.constant 16 : i32
      %parallel_loop3A_652 = arith.muli %parallel_loop3A_650, %parallel_loop3A_651 : i32
      %parallel_loop3A_653 = arith.addi %parallel_loop3A_652, %squeeze3A_119 : i32
      %parallel_loop3A_654 = vector.broadcast %parallel_loop3A_653 : i32 to vector<16xi32>
      %parallel_loop3A_655 = arith.addi %iota3A, %parallel_loop3A_654 : vector<16xi32>
      %parallel_loop3A_656 = arith.constant 0 : i32
      %parallel_loop3A_657 = arith.constant 511 : i32
      %parallel_loop3A_658 = vector.broadcast %parallel_loop3A_656 : i32 to vector<16xi32>
      %parallel_loop3A_659 = arith.maxsi %parallel_loop3A_658, %parallel_loop3A_655 : vector<16xi32>
      %parallel_loop3A_660 = vector.broadcast %parallel_loop3A_657 : i32 to vector<16xi32>
      %parallel_loop3A_661 = arith.minsi %parallel_loop3A_660, %parallel_loop3A_659 : vector<16xi32>
      %parallel_loop3A_662 = arith.addi %parallel_loop3A_652, %squeeze3A_121 : i32
      %parallel_loop3A_663 = vector.broadcast %parallel_loop3A_662 : i32 to vector<16xi32>
      %parallel_loop3A_664 = arith.addi %iota3A, %parallel_loop3A_663 : vector<16xi32>
      %parallel_loop3A_665 = arith.constant 0 : i32
      %parallel_loop3A_666 = arith.constant 511 : i32
      %parallel_loop3A_667 = vector.broadcast %parallel_loop3A_665 : i32 to vector<16xi32>
      %parallel_loop3A_668 = arith.maxsi %parallel_loop3A_667, %parallel_loop3A_664 : vector<16xi32>
      %parallel_loop3A_669 = vector.broadcast %parallel_loop3A_666 : i32 to vector<16xi32>
      %parallel_loop3A_670 = arith.minsi %parallel_loop3A_669, %parallel_loop3A_668 : vector<16xi32>
      %parallel_loop3A_671 = arith.addi %parallel_loop3A_652, %squeeze3A_123 : i32
      %parallel_loop3A_672 = vector.broadcast %parallel_loop3A_671 : i32 to vector<16xi32>
      %parallel_loop3A_673 = arith.addi %iota3A, %parallel_loop3A_672 : vector<16xi32>
      %parallel_loop3A_674 = arith.constant 0 : i32
      %parallel_loop3A_675 = arith.constant 511 : i32
      %parallel_loop3A_676 = vector.broadcast %parallel_loop3A_674 : i32 to vector<16xi32>
      %parallel_loop3A_677 = arith.maxsi %parallel_loop3A_676, %parallel_loop3A_673 : vector<16xi32>
      %parallel_loop3A_678 = vector.broadcast %parallel_loop3A_675 : i32 to vector<16xi32>
      %parallel_loop3A_679 = arith.minsi %parallel_loop3A_678, %parallel_loop3A_677 : vector<16xi32>
      %parallel_loop3A_680 = arith.addi %parallel_loop3A_652, %squeeze3A_125 : i32
      %parallel_loop3A_681 = vector.broadcast %parallel_loop3A_680 : i32 to vector<16xi32>
      %parallel_loop3A_682 = arith.addi %iota3A, %parallel_loop3A_681 : vector<16xi32>
      %parallel_loop3A_683 = arith.constant 0 : i32
      %parallel_loop3A_684 = arith.constant 511 : i32
      %parallel_loop3A_685 = vector.broadcast %parallel_loop3A_683 : i32 to vector<16xi32>
      %parallel_loop3A_686 = arith.maxsi %parallel_loop3A_685, %parallel_loop3A_682 : vector<16xi32>
      %parallel_loop3A_687 = vector.broadcast %parallel_loop3A_684 : i32 to vector<16xi32>
      %parallel_loop3A_688 = arith.minsi %parallel_loop3A_687, %parallel_loop3A_686 : vector<16xi32>
      %parallel_loop3A_689 = arith.addi %parallel_loop3A_652, %squeeze3A_127 : i32
      %parallel_loop3A_690 = vector.broadcast %parallel_loop3A_689 : i32 to vector<16xi32>
      %parallel_loop3A_691 = arith.addi %iota3A, %parallel_loop3A_690 : vector<16xi32>
      %parallel_loop3A_692 = arith.constant 0 : i32
      %parallel_loop3A_693 = arith.constant 511 : i32
      %parallel_loop3A_694 = vector.broadcast %parallel_loop3A_692 : i32 to vector<16xi32>
      %parallel_loop3A_695 = arith.maxsi %parallel_loop3A_694, %parallel_loop3A_691 : vector<16xi32>
      %parallel_loop3A_696 = vector.broadcast %parallel_loop3A_693 : i32 to vector<16xi32>
      %parallel_loop3A_697 = arith.minsi %parallel_loop3A_696, %parallel_loop3A_695 : vector<16xi32>
      %parallel_loop3A_698 = arith.addi %parallel_loop3A_652, %squeeze3A_129 : i32
      %parallel_loop3A_699 = vector.broadcast %parallel_loop3A_698 : i32 to vector<16xi32>
      %parallel_loop3A_700 = arith.addi %iota3A, %parallel_loop3A_699 : vector<16xi32>
      %parallel_loop3A_701 = arith.constant 0 : i32
      %parallel_loop3A_702 = arith.constant 511 : i32
      %parallel_loop3A_703 = vector.broadcast %parallel_loop3A_701 : i32 to vector<16xi32>
      %parallel_loop3A_704 = arith.maxsi %parallel_loop3A_703, %parallel_loop3A_700 : vector<16xi32>
      %parallel_loop3A_705 = vector.broadcast %parallel_loop3A_702 : i32 to vector<16xi32>
      %parallel_loop3A_706 = arith.minsi %parallel_loop3A_705, %parallel_loop3A_704 : vector<16xi32>
      %parallel_loop3A_707 = arith.addi %parallel_loop3A_652, %squeeze3A_131 : i32
      %parallel_loop3A_708 = vector.broadcast %parallel_loop3A_707 : i32 to vector<16xi32>
      %parallel_loop3A_709 = arith.addi %iota3A, %parallel_loop3A_708 : vector<16xi32>
      %parallel_loop3A_710 = arith.constant 0 : i32
      %parallel_loop3A_711 = arith.constant 511 : i32
      %parallel_loop3A_712 = vector.broadcast %parallel_loop3A_710 : i32 to vector<16xi32>
      %parallel_loop3A_713 = arith.maxsi %parallel_loop3A_712, %parallel_loop3A_709 : vector<16xi32>
      %parallel_loop3A_714 = vector.broadcast %parallel_loop3A_711 : i32 to vector<16xi32>
      %parallel_loop3A_715 = arith.minsi %parallel_loop3A_714, %parallel_loop3A_713 : vector<16xi32>
      %parallel_loop3A_716 = arith.addi %parallel_loop3A_652, %squeeze3A_133 : i32
      %parallel_loop3A_717 = vector.broadcast %parallel_loop3A_716 : i32 to vector<16xi32>
      %parallel_loop3A_718 = arith.addi %iota3A, %parallel_loop3A_717 : vector<16xi32>
      %parallel_loop3A_719 = arith.constant 0 : i32
      %parallel_loop3A_720 = arith.constant 511 : i32
      %parallel_loop3A_721 = vector.broadcast %parallel_loop3A_719 : i32 to vector<16xi32>
      %parallel_loop3A_722 = arith.maxsi %parallel_loop3A_721, %parallel_loop3A_718 : vector<16xi32>
      %parallel_loop3A_723 = vector.broadcast %parallel_loop3A_720 : i32 to vector<16xi32>
      %parallel_loop3A_724 = arith.minsi %parallel_loop3A_723, %parallel_loop3A_722 : vector<16xi32>
      %parallel_loop3A_725 = arith.constant 0 : i32
      %parallel_loop3A_726 = arith.constant 16 : i32
      %parallel_loop3A_727 = arith.constant 1 : i32
      scf.for %parallel_loop3A_728 = %parallel_loop3A_725 to %parallel_loop3A_726 step %parallel_loop3A_727  : i32 {
        %parallel_loop3A_729 = vector.broadcast %parallel_loop3A_728 : i32 to vector<16xi32>
        %parallel_loop3A_730 = arith.addi %broadcast_in_dim3A_94, %parallel_loop3A_729 : vector<16xi32>
        %parallel_loop3A_731 = tpu.vector_load_idx %arg13[%parallel_loop3A_730, %parallel_loop3A_661] : memref<16x512xf32, #tpu.memory_space<vmem>>[vector<16xi32>, vector<16xi32>], vector<16xf32>,
        %parallel_loop3A_732 = arith.mulf %add3A_64, %parallel_loop3A_731 : vector<16xf32>
        %parallel_loop3A_733 = tpu.vector_load_idx %arg14[%parallel_loop3A_730, %parallel_loop3A_670] : memref<16x512xf32, #tpu.memory_space<vmem>>[vector<16xi32>, vector<16xi32>], vector<16xf32>,
        %parallel_loop3A_734 = arith.mulf %add3A_68, %parallel_loop3A_733 : vector<16xf32>
        %parallel_loop3A_735 = arith.addf %parallel_loop3A_732, %parallel_loop3A_734 : vector<16xf32>
        %parallel_loop3A_736 = tpu.vector_load_idx %arg15[%parallel_loop3A_730, %parallel_loop3A_679] : memref<16x512xf32, #tpu.memory_space<vmem>>[vector<16xi32>, vector<16xi32>], vector<16xf32>,
        %parallel_loop3A_737 = arith.mulf %add3A_72, %parallel_loop3A_736 : vector<16xf32>
        %parallel_loop3A_738 = arith.addf %parallel_loop3A_735, %parallel_loop3A_737 : vector<16xf32>
        %parallel_loop3A_739 = tpu.vector_load_idx %arg16[%parallel_loop3A_730, %parallel_loop3A_688] : memref<16x512xf32, #tpu.memory_space<vmem>>[vector<16xi32>, vector<16xi32>], vector<16xf32>,
        %parallel_loop3A_740 = arith.mulf %add3A_76, %parallel_loop3A_739 : vector<16xf32>
        %parallel_loop3A_741 = arith.addf %parallel_loop3A_738, %parallel_loop3A_740 : vector<16xf32>
        %parallel_loop3A_742 = tpu.vector_load_idx %arg5[%parallel_loop3A_730, %parallel_loop3A_697] : memref<16x512xf32, #tpu.memory_space<vmem>>[vector<16xi32>, vector<16xi32>], vector<16xf32>,
        %parallel_loop3A_743 = arith.mulf %add3A_80, %parallel_loop3A_742 : vector<16xf32>
        %parallel_loop3A_744 = arith.addf %parallel_loop3A_741, %parallel_loop3A_743 : vector<16xf32>
        %parallel_loop3A_745 = tpu.vector_load_idx %arg6[%parallel_loop3A_730, %parallel_loop3A_706] : memref<16x512xf32, #tpu.memory_space<vmem>>[vector<16xi32>, vector<16xi32>], vector<16xf32>,
        %parallel_loop3A_746 = arith.mulf %add3A_84, %parallel_loop3A_745 : vector<16xf32>
        %parallel_loop3A_747 = arith.addf %parallel_loop3A_744, %parallel_loop3A_746 : vector<16xf32>
        %parallel_loop3A_748 = tpu.vector_load_idx %arg7[%parallel_loop3A_730, %parallel_loop3A_715] : memref<16x512xf32, #tpu.memory_space<vmem>>[vector<16xi32>, vector<16xi32>], vector<16xf32>,
        %parallel_loop3A_749 = arith.mulf %add3A_88, %parallel_loop3A_748 : vector<16xf32>
        %parallel_loop3A_750 = arith.addf %parallel_loop3A_747, %parallel_loop3A_749 : vector<16xf32>
        %parallel_loop3A_751 = tpu.vector_load_idx %arg8[%parallel_loop3A_730, %parallel_loop3A_724] : memref<16x512xf32, #tpu.memory_space<vmem>>[vector<16xi32>, vector<16xi32>], vector<16xf32>,
        %parallel_loop3A_752 = arith.mulf %add3A_92, %parallel_loop3A_751 : vector<16xf32>
        %parallel_loop3A_753 = arith.addf %parallel_loop3A_750, %parallel_loop3A_752 : vector<16xf32>
        %parallel_loop3A_754 = arith.index_cast %parallel_loop3A_728 : i32 to index
        %parallel_loop3A_755 = arith.index_cast %parallel_loop3A_652 : i32 to index
        %parallel_loop3A_756 = tpu.vector_load %arg30[%parallel_loop3A_754, %parallel_loop3A_755] {strides = array<i32>} : memref<16x512xf32, #tpu.memory_space<vmem>>, vector<16xf32>,
        tpu.vector_store %arg30[%parallel_loop3A_754, %parallel_loop3A_755], %parallel_loop3A_753 {strides = array<i32>} : memref<16x512xf32, #tpu.memory_space<vmem>>, vector<16xf32>,
      } {sc.loop_unroll_factor = 1 : i64, sc.parallel_access}
    } {sc.loop_unroll_factor = 1 : i64, sc.parallel_access}
    %add3A_529 = arith.addi %mul3A_2, %squeeze3A_111 : i32
    %add3A_530 = vector.broadcast %add3A_529 : i32 to vector<16xi32>
    %add3A_531 = arith.addi %iota3A, %add3A_530 : vector<16xi32>
    %jit3A_532 = arith.constant 0 : i32
    %jit3A_533 = arith.constant 511 : i32
    %max3A_534 = vector.broadcast %jit3A_532 : i32 to vector<16xi32>
    %max3A_535 = arith.maxsi %max3A_534, %add3A_531 : vector<16xi32>
    %min3A_536 = vector.broadcast %jit3A_533 : i32 to vector<16xi32>
    %min3A_537 = arith.minsi %min3A_536, %max3A_535 : vector<16xi32>
    %add3A_538 = arith.constant 7168 : i32
    %add3A_539 = vector.broadcast %add3A_538 : i32 to vector<16xi32>
    %add3A_540 = arith.addi %min3A_537, %add3A_539 : vector<16xi32>
    %swap3A_541 = arith.constant 0 : index
    %swap3A_542 = tpu.vector_load %arg25[%swap3A_541] {strides = array<i32>} : memref<16xi32, #tpu.memory_space<vmem>>, vector<16xi32>,
    tpu.vector_store %arg25[%swap3A_541], %add3A_540 {strides = array<i32>} : memref<16xi32, #tpu.memory_space<vmem>>, vector<16xi32>,
    %dma_start3A_543 = arith.constant 0 : i32
    %dma_start3A_544 = arith.constant 0 : i32
    %dma_start3A_545 = tpu.memref_slice %arg2[%dma_start3A_543, %dma_start3A_544] : memref<12288x512xf32, #tpu.memory_space<hbm>> -> memref<12288x512xf32, #tpu.memory_space<hbm>>
    tpu.enqueue_indirect_dma source(%dma_start3A_545 : memref<12288x512xf32, #tpu.memory_space<hbm>>) target(%arg13 : memref<16x512xf32, #tpu.memory_space<vmem>>) offsets(%arg25 : memref<16xi32, #tpu.memory_space<vmem>>) semaphore(%arg40 : memref<!tpu.dma_semaphore, #tpu.memory_space<semaphore_mem>>)
    %add3A_546 = arith.addi %mul3A_2, %squeeze3A_113 : i32
    %add3A_547 = vector.broadcast %add3A_546 : i32 to vector<16xi32>
    %add3A_548 = arith.addi %iota3A, %add3A_547 : vector<16xi32>
    %jit3A_549 = arith.constant 0 : i32
    %jit3A_550 = arith.constant 511 : i32
    %max3A_551 = vector.broadcast %jit3A_549 : i32 to vector<16xi32>
    %max3A_552 = arith.maxsi %max3A_551, %add3A_548 : vector<16xi32>
    %min3A_553 = vector.broadcast %jit3A_550 : i32 to vector<16xi32>
    %min3A_554 = arith.minsi %min3A_553, %max3A_552 : vector<16xi32>
    %add3A_555 = arith.constant 8704 : i32
    %add3A_556 = vector.broadcast %add3A_555 : i32 to vector<16xi32>
    %add3A_557 = arith.addi %min3A_554, %add3A_556 : vector<16xi32>
    %swap3A_558 = arith.constant 0 : index
    %swap3A_559 = tpu.vector_load %arg26[%swap3A_558] {strides = array<i32>} : memref<16xi32, #tpu.memory_space<vmem>>, vector<16xi32>,
    tpu.vector_store %arg26[%swap3A_558], %add3A_557 {strides = array<i32>} : memref<16xi32, #tpu.memory_space<vmem>>, vector<16xi32>,
    %dma_start3A_560 = arith.constant 0 : i32
    %dma_start3A_561 = arith.constant 0 : i32
    %dma_start3A_562 = tpu.memref_slice %arg2[%dma_start3A_560, %dma_start3A_561] : memref<12288x512xf32, #tpu.memory_space<hbm>> -> memref<12288x512xf32, #tpu.memory_space<hbm>>
    tpu.enqueue_indirect_dma source(%dma_start3A_562 : memref<12288x512xf32, #tpu.memory_space<hbm>>) target(%arg14 : memref<16x512xf32, #tpu.memory_space<vmem>>) offsets(%arg26 : memref<16xi32, #tpu.memory_space<vmem>>) semaphore(%arg41 : memref<!tpu.dma_semaphore, #tpu.memory_space<semaphore_mem>>)
    %add3A_563 = arith.addi %mul3A_2, %squeeze3A_115 : i32
    %add3A_564 = vector.broadcast %add3A_563 : i32 to vector<16xi32>
    %add3A_565 = arith.addi %iota3A, %add3A_564 : vector<16xi32>
    %jit3A_566 = arith.constant 0 : i32
    %jit3A_567 = arith.constant 511 : i32
    %max3A_568 = vector.broadcast %jit3A_566 : i32 to vector<16xi32>
    %max3A_569 = arith.maxsi %max3A_568, %add3A_565 : vector<16xi32>
    %min3A_570 = vector.broadcast %jit3A_567 : i32 to vector<16xi32>
    %min3A_571 = arith.minsi %min3A_570, %max3A_569 : vector<16xi32>
    %add3A_572 = arith.constant 10240 : i32
    %add3A_573 = vector.broadcast %add3A_572 : i32 to vector<16xi32>
    %add3A_574 = arith.addi %min3A_571, %add3A_573 : vector<16xi32>
    %swap3A_575 = arith.constant 0 : index
    %swap3A_576 = tpu.vector_load %arg27[%swap3A_575] {strides = array<i32>} : memref<16xi32, #tpu.memory_space<vmem>>, vector<16xi32>,
    tpu.vector_store %arg27[%swap3A_575], %add3A_574 {strides = array<i32>} : memref<16xi32, #tpu.memory_space<vmem>>, vector<16xi32>,
    %dma_start3A_577 = arith.constant 0 : i32
    %dma_start3A_578 = arith.constant 0 : i32
    %dma_start3A_579 = tpu.memref_slice %arg2[%dma_start3A_577, %dma_start3A_578] : memref<12288x512xf32, #tpu.memory_space<hbm>> -> memref<12288x512xf32, #tpu.memory_space<hbm>>
    tpu.enqueue_indirect_dma source(%dma_start3A_579 : memref<12288x512xf32, #tpu.memory_space<hbm>>) target(%arg15 : memref<16x512xf32, #tpu.memory_space<vmem>>) offsets(%arg27 : memref<16xi32, #tpu.memory_space<vmem>>) semaphore(%arg42 : memref<!tpu.dma_semaphore, #tpu.memory_space<semaphore_mem>>)
    %add3A_580 = arith.addi %mul3A_2, %squeeze3A_117 : i32
    %add3A_581 = vector.broadcast %add3A_580 : i32 to vector<16xi32>
    %add3A_582 = arith.addi %iota3A, %add3A_581 : vector<16xi32>
    %jit3A_583 = arith.constant 0 : i32
    %jit3A_584 = arith.constant 511 : i32
    %max3A_585 = vector.broadcast %jit3A_583 : i32 to vector<16xi32>
    %max3A_586 = arith.maxsi %max3A_585, %add3A_582 : vector<16xi32>
    %min3A_587 = vector.broadcast %jit3A_584 : i32 to vector<16xi32>
    %min3A_588 = arith.minsi %min3A_587, %max3A_586 : vector<16xi32>
    %add3A_589 = arith.constant 11776 : i32
    %add3A_590 = vector.broadcast %add3A_589 : i32 to vector<16xi32>
    %add3A_591 = arith.addi %min3A_588, %add3A_590 : vector<16xi32>
    %swap3A_592 = arith.constant 0 : index
    %swap3A_593 = tpu.vector_load %arg28[%swap3A_592] {strides = array<i32>} : memref<16xi32, #tpu.memory_space<vmem>>, vector<16xi32>,
    tpu.vector_store %arg28[%swap3A_592], %add3A_591 {strides = array<i32>} : memref<16xi32, #tpu.memory_space<vmem>>, vector<16xi32>,
    %dma_start3A_594 = arith.constant 0 : i32
    %dma_start3A_595 = arith.constant 0 : i32
    %dma_start3A_596 = tpu.memref_slice %arg2[%dma_start3A_594, %dma_start3A_595] : memref<12288x512xf32, #tpu.memory_space<hbm>> -> memref<12288x512xf32, #tpu.memory_space<hbm>>
    tpu.enqueue_indirect_dma source(%dma_start3A_596 : memref<12288x512xf32, #tpu.memory_space<hbm>>) target(%arg16 : memref<16x512xf32, #tpu.memory_space<vmem>>) offsets(%arg28 : memref<16xi32, #tpu.memory_space<vmem>>) semaphore(%arg43 : memref<!tpu.dma_semaphore, #tpu.memory_space<semaphore_mem>>)
    %add3A_597 = arith.constant 512 : i32
    %add3A_598 = arith.addi %add3A_597, %mul3A_2 : i32
    %multiple_of3A_599 = tpu.assume_multiple %add3A_598, 8 : i32
    %dma_start3A_600 = arith.constant 0 : i32
    %dma_start3A_601 = tpu.memref_slice %arg4[%multiple_of3A_599, %dma_start3A_600] : memref<1536x512xf32, #tpu.memory_space<hbm>> -> memref<16x512xf32, #tpu.memory_space<hbm>>
    %dma_start3A_602 = arith.constant 0 : i32
    %dma_start3A_603 = tpu.memref_slice %arg4[%multiple_of3A_599, %dma_start3A_602] : memref<1536x512xf32, #tpu.memory_space<hbm>> -> memref<16x512xf32, #tpu.memory_space<hbm>>
    tpu.enqueue_dma source(%arg30 : memref<16x512xf32, #tpu.memory_space<vmem>>) target(%dma_start3A_603 : memref<16x512xf32, #tpu.memory_space<hbm>>) target_semaphore(%arg45 : memref<!tpu.dma_semaphore, #tpu.memory_space<semaphore_mem>>)
    %dma_wait3A_604 = arith.constant 0 : i32
    %dma_wait3A_605 = arith.constant 0 : i32
    %dma_wait3A_606 = tpu.memref_slice %arg2[%dma_wait3A_604, %dma_wait3A_605] : memref<12288x512xf32, #tpu.memory_space<hbm>> -> memref<12288x512xf32, #tpu.memory_space<hbm>>
    tpu.wait_indirect_dma semaphore(%arg36 : memref<!tpu.dma_semaphore, #tpu.memory_space<semaphore_mem>>) src(%dma_wait3A_606 : memref<12288x512xf32, #tpu.memory_space<hbm>>) dst(%arg9 : memref<16x512xf32, #tpu.memory_space<vmem>>)
    %dma_wait3A_607 = arith.constant 0 : i32
    %dma_wait3A_608 = arith.constant 0 : i32
    %dma_wait3A_609 = tpu.memref_slice %arg2[%dma_wait3A_607, %dma_wait3A_608] : memref<12288x512xf32, #tpu.memory_space<hbm>> -> memref<12288x512xf32, #tpu.memory_space<hbm>>
    tpu.wait_indirect_dma semaphore(%arg37 : memref<!tpu.dma_semaphore, #tpu.memory_space<semaphore_mem>>) src(%dma_wait3A_609 : memref<12288x512xf32, #tpu.memory_space<hbm>>) dst(%arg10 : memref<16x512xf32, #tpu.memory_space<vmem>>)
    %dma_wait3A_610 = arith.constant 0 : i32
    %dma_wait3A_611 = arith.constant 0 : i32
    %dma_wait3A_612 = tpu.memref_slice %arg2[%dma_wait3A_610, %dma_wait3A_611] : memref<12288x512xf32, #tpu.memory_space<hbm>> -> memref<12288x512xf32, #tpu.memory_space<hbm>>
    tpu.wait_indirect_dma semaphore(%arg38 : memref<!tpu.dma_semaphore, #tpu.memory_space<semaphore_mem>>) src(%dma_wait3A_612 : memref<12288x512xf32, #tpu.memory_space<hbm>>) dst(%arg11 : memref<16x512xf32, #tpu.memory_space<vmem>>)
    %dma_wait3A_613 = arith.constant 0 : i32
    %dma_wait3A_614 = arith.constant 0 : i32
    %dma_wait3A_615 = tpu.memref_slice %arg2[%dma_wait3A_613, %dma_wait3A_614] : memref<12288x512xf32, #tpu.memory_space<hbm>> -> memref<12288x512xf32, #tpu.memory_space<hbm>>
    tpu.wait_indirect_dma semaphore(%arg39 : memref<!tpu.dma_semaphore, #tpu.memory_space<semaphore_mem>>) src(%dma_wait3A_615 : memref<12288x512xf32, #tpu.memory_space<hbm>>) dst(%arg12 : memref<16x512xf32, #tpu.memory_space<vmem>>)
    %dma_wait3A_616 = arith.constant 0 : i32
    %dma_wait3A_617 = arith.constant 0 : i32
    %dma_wait3A_618 = tpu.memref_slice %arg2[%dma_wait3A_616, %dma_wait3A_617] : memref<12288x512xf32, #tpu.memory_space<hbm>> -> memref<12288x512xf32, #tpu.memory_space<hbm>>
    tpu.wait_indirect_dma semaphore(%arg40 : memref<!tpu.dma_semaphore, #tpu.memory_space<semaphore_mem>>) src(%dma_wait3A_618 : memref<12288x512xf32, #tpu.memory_space<hbm>>) dst(%arg13 : memref<16x512xf32, #tpu.memory_space<vmem>>)
    %dma_wait3A_619 = arith.constant 0 : i32
    %dma_wait3A_620 = arith.constant 0 : i32
    %dma_wait3A_621 = tpu.memref_slice %arg2[%dma_wait3A_619, %dma_wait3A_620] : memref<12288x512xf32, #tpu.memory_space<hbm>> -> memref<12288x512xf32, #tpu.memory_space<hbm>>
    tpu.wait_indirect_dma semaphore(%arg41 : memref<!tpu.dma_semaphore, #tpu.memory_space<semaphore_mem>>) src(%dma_wait3A_621 : memref<12288x512xf32, #tpu.memory_space<hbm>>) dst(%arg14 : memref<16x512xf32, #tpu.memory_space<vmem>>)
    %dma_wait3A_622 = arith.constant 0 : i32
    %dma_wait3A_623 = arith.constant 0 : i32
    %dma_wait3A_624 = tpu.memref_slice %arg2[%dma_wait3A_622, %dma_wait3A_623] : memref<12288x512xf32, #tpu.memory_space<hbm>> -> memref<12288x512xf32, #tpu.memory_space<hbm>>
    tpu.wait_indirect_dma semaphore(%arg42 : memref<!tpu.dma_semaphore, #tpu.memory_space<semaphore_mem>>) src(%dma_wait3A_624 : memref<12288x512xf32, #tpu.memory_space<hbm>>) dst(%arg15 : memref<16x512xf32, #tpu.memory_space<vmem>>)
    %dma_wait3A_625 = arith.constant 0 : i32
    %dma_wait3A_626 = arith.constant 0 : i32
    %dma_wait3A_627 = tpu.memref_slice %arg2[%dma_wait3A_625, %dma_wait3A_626] : memref<12288x512xf32, #tpu.memory_space<hbm>> -> memref<12288x512xf32, #tpu.memory_space<hbm>>
    tpu.wait_indirect_dma semaphore(%arg43 : memref<!tpu.dma_semaphore, #tpu.memory_space<semaphore_mem>>) src(%dma_wait3A_627 : memref<12288x512xf32, #tpu.memory_space<hbm>>) dst(%arg16 : memref<16x512xf32, #tpu.memory_space<vmem>>)
    %dma_wait3A_628 = arith.constant 0 : i32
    %dma_wait3A_629 = tpu.memref_slice %arg4[%multiple_of3A, %dma_wait3A_628] : memref<1536x512xf32, #tpu.memory_space<hbm>> -> memref<16x512xf32, #tpu.memory_space<hbm>>
    %dma_wait3A_630 = arith.constant 0 : i32
    %dma_wait3A_631 = tpu.memref_slice %arg4[%multiple_of3A, %dma_wait3A_630] : memref<1536x512xf32, #tpu.memory_space<hbm>> -> memref<16x512xf32, #tpu.memory_space<hbm>>
    tpu.wait_dma2 semaphore(%arg44 : memref<!tpu.dma_semaphore, #tpu.memory_space<semaphore_mem>>) src(%arg29 : memref<16x512xf32, #tpu.memory_space<vmem>>) dst(%dma_wait3A_631 : memref<16x512xf32, #tpu.memory_space<hbm>>)
    %parallel_loop3A_632 = arith.constant 0 : i32
    %parallel_loop3A_633 = arith.constant 32 : i32
    %parallel_loop3A_634 = arith.constant 1 : i32
    scf.for %parallel_loop3A_650 = %parallel_loop3A_632 to %parallel_loop3A_633 step %parallel_loop3A_634  : i32 {
      %parallel_loop3A_651 = arith.constant 16 : i32
      %parallel_loop3A_652 = arith.muli %parallel_loop3A_650, %parallel_loop3A_651 : i32
      %parallel_loop3A_653 = arith.addi %parallel_loop3A_652, %squeeze3A_119 : i32
      %parallel_loop3A_654 = vector.broadcast %parallel_loop3A_653 : i32 to vector<16xi32>
      %parallel_loop3A_655 = arith.addi %iota3A, %parallel_loop3A_654 : vector<16xi32>
      %parallel_loop3A_656 = arith.constant 0 : i32
      %parallel_loop3A_657 = arith.constant 511 : i32
      %parallel_loop3A_658 = vector.broadcast %parallel_loop3A_656 : i32 to vector<16xi32>
      %parallel_loop3A_659 = arith.maxsi %parallel_loop3A_658, %parallel_loop3A_655 : vector<16xi32>
      %parallel_loop3A_660 = vector.broadcast %parallel_loop3A_657 : i32 to vector<16xi32>
      %parallel_loop3A_661 = arith.minsi %parallel_loop3A_660, %parallel_loop3A_659 : vector<16xi32>
      %parallel_loop3A_662 = arith.addi %parallel_loop3A_652, %squeeze3A_121 : i32
      %parallel_loop3A_663 = vector.broadcast %parallel_loop3A_662 : i32 to vector<16xi32>
      %parallel_loop3A_664 = arith.addi %iota3A, %parallel_loop3A_663 : vector<16xi32>
      %parallel_loop3A_665 = arith.constant 0 : i32
      %parallel_loop3A_666 = arith.constant 511 : i32
      %parallel_loop3A_667 = vector.broadcast %parallel_loop3A_665 : i32 to vector<16xi32>
      %parallel_loop3A_668 = arith.maxsi %parallel_loop3A_667, %parallel_loop3A_664 : vector<16xi32>
      %parallel_loop3A_669 = vector.broadcast %parallel_loop3A_666 : i32 to vector<16xi32>
      %parallel_loop3A_670 = arith.minsi %parallel_loop3A_669, %parallel_loop3A_668 : vector<16xi32>
      %parallel_loop3A_671 = arith.addi %parallel_loop3A_652, %squeeze3A_123 : i32
      %parallel_loop3A_672 = vector.broadcast %parallel_loop3A_671 : i32 to vector<16xi32>
      %parallel_loop3A_673 = arith.addi %iota3A, %parallel_loop3A_672 : vector<16xi32>
      %parallel_loop3A_674 = arith.constant 0 : i32
      %parallel_loop3A_675 = arith.constant 511 : i32
      %parallel_loop3A_676 = vector.broadcast %parallel_loop3A_674 : i32 to vector<16xi32>
      %parallel_loop3A_677 = arith.maxsi %parallel_loop3A_676, %parallel_loop3A_673 : vector<16xi32>
      %parallel_loop3A_678 = vector.broadcast %parallel_loop3A_675 : i32 to vector<16xi32>
      %parallel_loop3A_679 = arith.minsi %parallel_loop3A_678, %parallel_loop3A_677 : vector<16xi32>
      %parallel_loop3A_680 = arith.addi %parallel_loop3A_652, %squeeze3A_125 : i32
      %parallel_loop3A_681 = vector.broadcast %parallel_loop3A_680 : i32 to vector<16xi32>
      %parallel_loop3A_682 = arith.addi %iota3A, %parallel_loop3A_681 : vector<16xi32>
      %parallel_loop3A_683 = arith.constant 0 : i32
      %parallel_loop3A_684 = arith.constant 511 : i32
      %parallel_loop3A_685 = vector.broadcast %parallel_loop3A_683 : i32 to vector<16xi32>
      %parallel_loop3A_686 = arith.maxsi %parallel_loop3A_685, %parallel_loop3A_682 : vector<16xi32>
      %parallel_loop3A_687 = vector.broadcast %parallel_loop3A_684 : i32 to vector<16xi32>
      %parallel_loop3A_688 = arith.minsi %parallel_loop3A_687, %parallel_loop3A_686 : vector<16xi32>
      %parallel_loop3A_689 = arith.addi %parallel_loop3A_652, %squeeze3A_127 : i32
      %parallel_loop3A_690 = vector.broadcast %parallel_loop3A_689 : i32 to vector<16xi32>
      %parallel_loop3A_691 = arith.addi %iota3A, %parallel_loop3A_690 : vector<16xi32>
      %parallel_loop3A_692 = arith.constant 0 : i32
      %parallel_loop3A_693 = arith.constant 511 : i32
      %parallel_loop3A_694 = vector.broadcast %parallel_loop3A_692 : i32 to vector<16xi32>
      %parallel_loop3A_695 = arith.maxsi %parallel_loop3A_694, %parallel_loop3A_691 : vector<16xi32>
      %parallel_loop3A_696 = vector.broadcast %parallel_loop3A_693 : i32 to vector<16xi32>
      %parallel_loop3A_697 = arith.minsi %parallel_loop3A_696, %parallel_loop3A_695 : vector<16xi32>
      %parallel_loop3A_698 = arith.addi %parallel_loop3A_652, %squeeze3A_129 : i32
      %parallel_loop3A_699 = vector.broadcast %parallel_loop3A_698 : i32 to vector<16xi32>
      %parallel_loop3A_700 = arith.addi %iota3A, %parallel_loop3A_699 : vector<16xi32>
      %parallel_loop3A_701 = arith.constant 0 : i32
      %parallel_loop3A_702 = arith.constant 511 : i32
      %parallel_loop3A_703 = vector.broadcast %parallel_loop3A_701 : i32 to vector<16xi32>
      %parallel_loop3A_704 = arith.maxsi %parallel_loop3A_703, %parallel_loop3A_700 : vector<16xi32>
      %parallel_loop3A_705 = vector.broadcast %parallel_loop3A_702 : i32 to vector<16xi32>
      %parallel_loop3A_706 = arith.minsi %parallel_loop3A_705, %parallel_loop3A_704 : vector<16xi32>
      %parallel_loop3A_707 = arith.addi %parallel_loop3A_652, %squeeze3A_131 : i32
      %parallel_loop3A_708 = vector.broadcast %parallel_loop3A_707 : i32 to vector<16xi32>
      %parallel_loop3A_709 = arith.addi %iota3A, %parallel_loop3A_708 : vector<16xi32>
      %parallel_loop3A_710 = arith.constant 0 : i32
      %parallel_loop3A_711 = arith.constant 511 : i32
      %parallel_loop3A_712 = vector.broadcast %parallel_loop3A_710 : i32 to vector<16xi32>
      %parallel_loop3A_713 = arith.maxsi %parallel_loop3A_712, %parallel_loop3A_709 : vector<16xi32>
      %parallel_loop3A_714 = vector.broadcast %parallel_loop3A_711 : i32 to vector<16xi32>
      %parallel_loop3A_715 = arith.minsi %parallel_loop3A_714, %parallel_loop3A_713 : vector<16xi32>
      %parallel_loop3A_716 = arith.addi %parallel_loop3A_652, %squeeze3A_133 : i32
      %parallel_loop3A_717 = vector.broadcast %parallel_loop3A_716 : i32 to vector<16xi32>
      %parallel_loop3A_718 = arith.addi %iota3A, %parallel_loop3A_717 : vector<16xi32>
      %parallel_loop3A_719 = arith.constant 0 : i32
      %parallel_loop3A_720 = arith.constant 511 : i32
      %parallel_loop3A_721 = vector.broadcast %parallel_loop3A_719 : i32 to vector<16xi32>
      %parallel_loop3A_722 = arith.maxsi %parallel_loop3A_721, %parallel_loop3A_718 : vector<16xi32>
      %parallel_loop3A_723 = vector.broadcast %parallel_loop3A_720 : i32 to vector<16xi32>
      %parallel_loop3A_724 = arith.minsi %parallel_loop3A_723, %parallel_loop3A_722 : vector<16xi32>
      %parallel_loop3A_725 = arith.constant 0 : i32
      %parallel_loop3A_726 = arith.constant 16 : i32
      %parallel_loop3A_727 = arith.constant 1 : i32
      scf.for %parallel_loop3A_728 = %parallel_loop3A_725 to %parallel_loop3A_726 step %parallel_loop3A_727  : i32 {
        %parallel_loop3A_729 = vector.broadcast %parallel_loop3A_728 : i32 to vector<16xi32>
        %parallel_loop3A_730 = arith.addi %broadcast_in_dim3A_94, %parallel_loop3A_729 : vector<16xi32>
        %parallel_loop3A_731 = tpu.vector_load_idx %arg9[%parallel_loop3A_730, %parallel_loop3A_661] : memref<16x512xf32, #tpu.memory_space<vmem>>[vector<16xi32>, vector<16xi32>], vector<16xf32>,
        %parallel_loop3A_732 = arith.mulf %add3A_64, %parallel_loop3A_731 : vector<16xf32>
        %parallel_loop3A_733 = tpu.vector_load_idx %arg10[%parallel_loop3A_730, %parallel_loop3A_670] : memref<16x512xf32, #tpu.memory_space<vmem>>[vector<16xi32>, vector<16xi32>], vector<16xf32>,
        %parallel_loop3A_734 = arith.mulf %add3A_68, %parallel_loop3A_733 : vector<16xf32>
        %parallel_loop3A_735 = arith.addf %parallel_loop3A_732, %parallel_loop3A_734 : vector<16xf32>
        %parallel_loop3A_736 = tpu.vector_load_idx %arg11[%parallel_loop3A_730, %parallel_loop3A_679] : memref<16x512xf32, #tpu.memory_space<vmem>>[vector<16xi32>, vector<16xi32>], vector<16xf32>,
        %parallel_loop3A_737 = arith.mulf %add3A_72, %parallel_loop3A_736 : vector<16xf32>
        %parallel_loop3A_738 = arith.addf %parallel_loop3A_735, %parallel_loop3A_737 : vector<16xf32>
        %parallel_loop3A_739 = tpu.vector_load_idx %arg12[%parallel_loop3A_730, %parallel_loop3A_688] : memref<16x512xf32, #tpu.memory_space<vmem>>[vector<16xi32>, vector<16xi32>], vector<16xf32>,
        %parallel_loop3A_740 = arith.mulf %add3A_76, %parallel_loop3A_739 : vector<16xf32>
        %parallel_loop3A_741 = arith.addf %parallel_loop3A_738, %parallel_loop3A_740 : vector<16xf32>
        %parallel_loop3A_742 = tpu.vector_load_idx %arg13[%parallel_loop3A_730, %parallel_loop3A_697] : memref<16x512xf32, #tpu.memory_space<vmem>>[vector<16xi32>, vector<16xi32>], vector<16xf32>,
        %parallel_loop3A_743 = arith.mulf %add3A_80, %parallel_loop3A_742 : vector<16xf32>
        %parallel_loop3A_744 = arith.addf %parallel_loop3A_741, %parallel_loop3A_743 : vector<16xf32>
        %parallel_loop3A_745 = tpu.vector_load_idx %arg14[%parallel_loop3A_730, %parallel_loop3A_706] : memref<16x512xf32, #tpu.memory_space<vmem>>[vector<16xi32>, vector<16xi32>], vector<16xf32>,
        %parallel_loop3A_746 = arith.mulf %add3A_84, %parallel_loop3A_745 : vector<16xf32>
        %parallel_loop3A_747 = arith.addf %parallel_loop3A_744, %parallel_loop3A_746 : vector<16xf32>
        %parallel_loop3A_748 = tpu.vector_load_idx %arg15[%parallel_loop3A_730, %parallel_loop3A_715] : memref<16x512xf32, #tpu.memory_space<vmem>>[vector<16xi32>, vector<16xi32>], vector<16xf32>,
        %parallel_loop3A_749 = arith.mulf %add3A_88, %parallel_loop3A_748 : vector<16xf32>
        %parallel_loop3A_750 = arith.addf %parallel_loop3A_747, %parallel_loop3A_749 : vector<16xf32>
        %parallel_loop3A_751 = tpu.vector_load_idx %arg16[%parallel_loop3A_730, %parallel_loop3A_724] : memref<16x512xf32, #tpu.memory_space<vmem>>[vector<16xi32>, vector<16xi32>], vector<16xf32>,
        %parallel_loop3A_752 = arith.mulf %add3A_92, %parallel_loop3A_751 : vector<16xf32>
        %parallel_loop3A_753 = arith.addf %parallel_loop3A_750, %parallel_loop3A_752 : vector<16xf32>
        %parallel_loop3A_754 = arith.index_cast %parallel_loop3A_728 : i32 to index
        %parallel_loop3A_755 = arith.index_cast %parallel_loop3A_652 : i32 to index
        %parallel_loop3A_756 = tpu.vector_load %arg29[%parallel_loop3A_754, %parallel_loop3A_755] {strides = array<i32>} : memref<16x512xf32, #tpu.memory_space<vmem>>, vector<16xf32>,
        tpu.vector_store %arg29[%parallel_loop3A_754, %parallel_loop3A_755], %parallel_loop3A_753 {strides = array<i32>} : memref<16x512xf32, #tpu.memory_space<vmem>>, vector<16xf32>,
      } {sc.loop_unroll_factor = 1 : i64, sc.parallel_access}
    } {sc.loop_unroll_factor = 1 : i64, sc.parallel_access}
    %add3A_635 = arith.constant 1024 : i32
    %add3A_636 = arith.addi %add3A_635, %mul3A_2 : i32
    %multiple_of3A_637 = tpu.assume_multiple %add3A_636, 8 : i32
    %dma_start3A_638 = arith.constant 0 : i32
    %dma_start3A_639 = tpu.memref_slice %arg4[%multiple_of3A_637, %dma_start3A_638] : memref<1536x512xf32, #tpu.memory_space<hbm>> -> memref<16x512xf32, #tpu.memory_space<hbm>>
    %dma_start3A_640 = arith.constant 0 : i32
    %dma_start3A_641 = tpu.memref_slice %arg4[%multiple_of3A_637, %dma_start3A_640] : memref<1536x512xf32, #tpu.memory_space<hbm>> -> memref<16x512xf32, #tpu.memory_space<hbm>>
    tpu.enqueue_dma source(%arg29 : memref<16x512xf32, #tpu.memory_space<vmem>>) target(%dma_start3A_641 : memref<16x512xf32, #tpu.memory_space<hbm>>) target_semaphore(%arg44 : memref<!tpu.dma_semaphore, #tpu.memory_space<semaphore_mem>>)
    %dma_wait3A_642 = arith.constant 0 : i32
    %dma_wait3A_643 = tpu.memref_slice %arg4[%multiple_of3A_599, %dma_wait3A_642] : memref<1536x512xf32, #tpu.memory_space<hbm>> -> memref<16x512xf32, #tpu.memory_space<hbm>>
    %dma_wait3A_644 = arith.constant 0 : i32
    %dma_wait3A_645 = tpu.memref_slice %arg4[%multiple_of3A_599, %dma_wait3A_644] : memref<1536x512xf32, #tpu.memory_space<hbm>> -> memref<16x512xf32, #tpu.memory_space<hbm>>
    tpu.wait_dma2 semaphore(%arg45 : memref<!tpu.dma_semaphore, #tpu.memory_space<semaphore_mem>>) src(%arg30 : memref<16x512xf32, #tpu.memory_space<vmem>>) dst(%dma_wait3A_645 : memref<16x512xf32, #tpu.memory_space<hbm>>)
    %dma_wait3A_646 = arith.constant 0 : i32
    %dma_wait3A_647 = tpu.memref_slice %arg4[%multiple_of3A_637, %dma_wait3A_646] : memref<1536x512xf32, #tpu.memory_space<hbm>> -> memref<16x512xf32, #tpu.memory_space<hbm>>
    %dma_wait3A_648 = arith.constant 0 : i32
    %dma_wait3A_649 = tpu.memref_slice %arg4[%multiple_of3A_637, %dma_wait3A_648] : memref<1536x512xf32, #tpu.memory_space<hbm>> -> memref<16x512xf32, #tpu.memory_space<hbm>>
    tpu.wait_dma2 semaphore(%arg44 : memref<!tpu.dma_semaphore, #tpu.memory_space<semaphore_mem>>) src(%arg29 : memref<16x512xf32, #tpu.memory_space<vmem>>) dst(%dma_wait3A_649 : memref<16x512xf32, #tpu.memory_space<hbm>>)
    return
  }
}

</mosaic_0001>

<sc_bundles>
// kernel: kernel.3.cloned.1.call-start
scs
__scs_entry_jumppad:
0x0: {  	(pc) =	sbr.rel $0x88, $3  }
0x1: {  	(tag) =	ssettag $0x0;
	lr =	simm.s32 $0x1  }
0x2: {  	[smem:$0x3F9F] =	sst lr;
	_ =	strace $0xD0000000  }
0x3: {  	_ = 	snop  }
0x4: {  	_ = 	snop  }
0x5: {  	_ = 	snop  }
0x6: {  	_ = 	snop  }
0x7: {  	_ = 	snop  }
__scs_overlays_trampoline_lowered:
0x8: {  	[smem:$0x3FAE] =	sst s0  }
0x9: {  	[smem:$0x3FAF] =	sst s1  }
0xa: {  	[smem:$0x3FB0] =	sst s2  }
0xb: {  	[smem:$0x3FB1] =	sst s3  }
0xc: {  	[smem:$0x3FB2] =	sst s4  }
0xd: {  	[smem:$0x3FB3] =	sst s5  }
0xe: {  	[smem:$0x3FB4] =	sst s6  }
0xf: {  	[smem:$0x3FB5] =	sst s7  }
0x10: {  	[smem:$0x3FB6] =	sst s8  }
0x11: {  	[smem:$0x3FB7] =	sst s9;
	s0 =	simm.s32 @!p0 $0x0  }
0x12: {  	s1 =	sld [smem:$0x3F9D];
	s0 =	simm.s32 @p0 $0x1  }
0x13: {  	[smem:$0x3FB8] =	sst s0;
	s0 =	simm.s32 @!p1 $0x0  }
0x14: {  	s2 =	sld [smem:$0x3F9C];
	s0 =	simm.s32 @p1 $0x1  }
0x15: {  	[smem:$0x3FB9] =	sst s0;
	s0 =	simm.s32 @!p2 $0x0  }
0x16: {  	s3 =	sld [smem:$0x3FDB];
	s0 =	simm.s32 @p2 $0x1  }
0x17: {  	s4 =	simm.s32 $0x1BF5;
	[smem:$0x3FBB] =	sst s0  }
0x18: {  	s0 =	sld [smem:$0x3F9E];
	_ =	swait.ge [sflag:s4], $0x0  }
0x19: {  	s7 =	sld [smem:$0x3F9F]  }
0x1a: {  	s8 =	sadd.s32 $0xFFFFE003, lr  }
0x1b: {  	s9 =	sadd.s32 $0xFFFFFEF7, lr;
	s5 =	simm.s32 $0xFFFFFFFF;
	p2 =	slt.u32 s8, $0xFFFFF086  }
0x1c: {  	p1 =	slt.u32 s9, $0xF7A;
	s5 =	simm.s32 @!p2 $0x0  }
0x1d: {  	s5 =	simm.s32 @p1 $0x1;
	p0 =	seq.s32 s7, s2  }
0x1e: {  	s7 =	smul.u32 @!p0 $0xF7A, s2;
	p2 =	seq.s32 @!p0 s5, $0x0  }
0x1f: {  	s9 =	smul.u32 $0xF7A, s1;
	s8 =	simm.s32 @!p0 $0x1BF5;
	p2 =	por !p2, p0  }
0x20: {  	[sflag:s8] =	ssyncset.s32 @!p0 $0xFFFFF086;
	s6 =	sadd.s32 @!p0 s3, s7;
	s7 =	simm.s32 @!p0 $0x108  }
0x21: {  	s3 =	sadd.s32 s3, s9;
	s6 =	sadd.s32 @!p0 $0x88, s6;
	s7 =	simm.s32 @p2 $0x1082  }
0x22: {  	[simem:s7], [sflag:s8] =	dma.local @!p0 [hbm:s6], $0xF7A  }
0x23: {  	s9 =	sor.u32 $0xD0000000, s2;
	s6 =	simm.s32 $0x108;
	_ =	swait.ge @!p0 [sflag:s8], $0x0  }
0x24: {  	s3 =	sadd.s32 $0x88, s3;
	s6 =	simm.s32 @!p1 $0x1082;
	[sflag:s4] =	ssyncset.s32 $0xFFFFF086  }
0x25: {  	[simem:s6], [sflag:s4] =	dma.local [hbm:s3], $0xF7A  }
0x26: {  	[smem:$0x3F9F] =	sst s1;
	(tag) =	ssettag s2;
	_ =	strace s9  }
0x27: {  	s1 =	sld [smem:$0x3FAF]  }
0x28: {  	s2 =	sld [smem:$0x3FB0]  }
0x29: {  	s4 =	sld [smem:$0x3FB2]  }
0x2a: {  	p0 =	seq.s32 s5, $0x0;
	s5 =	sld [smem:$0x3FB3]  }
0x2b: {  	s6 =	sld [smem:$0x3FB4]  }
0x2c: {  	s7 =	sld [smem:$0x3FB5]  }
0x2d: {  	s3 =	simm.s32 $0x108;
	s8 =	sld [smem:$0x3FB6]  }
0x2e: {  	s3 =	simm.s32 @!p0 $0x1082;
	s9 =	sld [smem:$0x3FB7]  }
0x2f: {  	lr =	sadd.s32 s0, s3;
	s0 =	sld [smem:$0x3FAE]  }
0x30: {  	s3 =	sld [smem:$0x3FB1]  }
0x31: {  	[smem:$0x3FBA] =	sst s10  }
0x32: {  	s10 =	sld [smem:$0x3FB8];
	_ =	sdelay $0x3  }
0x33: {  	p0 =	seq.s32 s10, $0x1;
	s10 =	sld [smem:$0x3FBA];
	_ =	sdelay $0x3  }
0x34: {  	[smem:$0x3FBA] =	sst s10  }
0x35: {  	s10 =	sld [smem:$0x3FB9];
	_ =	sdelay $0x3  }
0x36: {  	p1 =	seq.s32 s10, $0x1;
	s10 =	sld [smem:$0x3FBA];
	_ =	sdelay $0x3  }
0x37: {  	[smem:$0x3FBA] =	sst s10  }
0x38: {  	s10 =	sld [smem:$0x3FBB]  }
0x39: {  	_ = 	snop;
	(pc) =	sbr.ind lr, $3  }
0x3a: {  	_ = 	snop  }
0x3b: {  	_ = 	snop  }
0x3c: {  	p2 =	seq.s32 s10, $0x1;
	s10 =	sld [smem:$0x3FBA]  }
0x3d: {  	_ =	shalt  }
0x3e: {  	_ =	shalt  }
0x3f: {  	_ =	shalt  }
0x40: {  	_ =	shalt  }
0x41: {  	_ =	shalt  }
0x42: {  	_ =	shalt  }
0x43: {  	_ =	shalt  }
0x44: {  	_ =	shalt  }
0x45: {  	_ =	shalt  }
0x46: {  	_ =	shalt  }
0x47: {  	_ =	shalt  }
0x48: {  	_ =	shalt  }
0x49: {  	_ =	shalt  }
0x4a: {  	_ =	shalt  }
0x4b: {  	_ =	shalt  }
0x4c: {  	_ =	shalt  }
0x4d: {  	_ =	shalt  }
0x4e: {  	_ =	shalt  }
0x4f: {  	_ =	shalt  }
0x50: {  	_ =	shalt  }
0x51: {  	_ =	shalt  }
0x52: {  	_ =	shalt  }
0x53: {  	_ =	shalt  }
0x54: {  	_ =	shalt  }
0x55: {  	_ =	shalt  }
0x56: {  	_ =	shalt  }
0x57: {  	_ =	shalt  }
0x58: {  	_ =	shalt  }
0x59: {  	_ =	shalt  }
0x5a: {  	_ =	shalt  }
0x5b: {  	_ =	shalt  }
0x5c: {  	_ =	shalt  }
0x5d: {  	_ =	shalt  }
0x5e: {  	_ =	shalt  }
0x5f: {  	_ =	shalt  }
0x60: {  	_ =	shalt  }
0x61: {  	_ =	shalt  }
0x62: {  	_ =	shalt  }
0x63: {  	_ =	shalt  }
0x64: {  	_ =	shalt  }
0x65: {  	_ =	shalt  }
0x66: {  	_ =	shalt  }
0x67: {  	_ =	shalt  }
0x68: {  	_ =	shalt  }
0x69: {  	_ =	shalt  }
0x6a: {  	_ =	shalt  }
0x6b: {  	_ =	shalt  }
0x6c: {  	_ =	shalt  }
0x6d: {  	_ =	shalt  }
0x6e: {  	_ =	shalt  }
0x6f: {  	_ =	shalt  }
0x70: {  	_ =	shalt  }
0x71: {  	_ =	shalt  }
0x72: {  	_ =	shalt  }
0x73: {  	_ =	shalt  }
0x74: {  	_ =	shalt  }
0x75: {  	_ =	shalt  }
0x76: {  	_ =	shalt  }
0x77: {  	_ =	shalt  }
0x78: {  	_ =	shalt  }
0x79: {  	_ =	shalt  }
0x7a: {  	_ =	shalt  }
0x7b: {  	_ =	shalt  }
0x7c: {  	_ =	shalt  }
0x7d: {  	_ =	shalt  }
0x7e: {  	_ =	shalt  }
0x7f: {  	_ =	shalt  }
0x80: {  	_ =	shalt  }
0x81: {  	_ =	shalt  }
0x82: {  	_ =	shalt  }
0x83: {  	_ =	shalt  }
0x84: {  	_ =	shalt  }
0x85: {  	_ =	shalt  }
0x86: {  	_ =	shalt  }
0x87: {  	_ =	shalt  }
.Lfunc_end0:
.L_simem_size_0:
called_computation_lowered:
.L_overlay_start_0:
0x88: {  	s2 =	sld [smem:$0x3FD9]  }
0x89: {  	s3 =	sld [smem:$0x3FFE];
	_ =	sdelay $0x1  }
0x8a: {  	s1 =	srdreg.scid  }
0x8b: {  	s0 =	sand.u32 $0x1, s1  }
0x8c: {  	s17 =	sshll.u32 s0, $0xA;
	s2 =	sadd.s32 s3, s2  }
0x8d: {  	s2 =	sadd.s32 s2, s17  }
0x8e: {  	[smem:$0x3FC6] =	sst s2  }
0x8f: {  	_ = 	snop  }
0x90: {  	s2 =	sld [smem:$0x3FC8]  }
0x91: {  	s18 =	sld [smem:$0x3FD0];
	(tm) =	ssettm $0x1  }
0x92: {  	s4 =	sld [smem:$0x3FFB];
	_ =	sdelay $0x3  }
0x93: {  	_ =	strace s4  }
0x94: {  	s4 =	sld [smem:$0x3FFC];
	_ =	sdelay $0x3  }
0x95: {  	_ =	strace s4  }
0x96: {  	s4 =	sld [smem:$0x3FFD];
	_ =	sdelay $0x3  }
0x97: {  	_ =	strace s4  }
0x98: {  	_ =	strace $0x8FFFFFFF  }
0x99: {  	s19 =	sld [smem:$0x3FDB];
	_ =	sdelay $0x1  }
0x9a: {  	s5 =	simm.s32 $_scs_section_size  }
0x9b: {  	s6 =	simm.s32 $_size__tile_overlayer_lowered;
	s7 =	simm.s32 $_tile_overlayer_lowered  }
0x9c: {  	s22 =	simm.s32 $0x1BFF;
	s21 =	sshll.u32 s7, $0x1;
	s4 =	sadd.s32 s5, s19  }
0x9d: {  	s8 =	simm.s32 $0x0;
	s20 =	sshll.u32 s6, $0x1;
	s6 =	sadd.s32 s21, s4  }
0x9e: {  	[timem:s8], [sflag:s22] =	dma.local [hbm:s6], s20  }
0x9f: {  	_ =	swait.ge [sflag:s22], s20  }
0xa0: {  	s5 =	ssub.s32 $0x0, s20;
	[sflag:s22] =	ssyncset.done $0x0  }
0xa1: {  	[sflag:s22] =	ssyncadd.s32 s5;
	_ =	sdelay $0x1  }
0xa2: {  	s23 =	simm.s32 $0x1B8B  }
0xa3: {  	_ =	swait.ge [sflag:s23], $0x1  }
0xa4: {  	[sflag:s23] =	ssyncset.done $0x0  }
0xa5: {  	s25 =	simm.s32 $0x1B8E;
	s24 =	sld [smem:$0x3FFE];
	[sflag:s23] =	ssyncadd.s32 $0xFFFFFFFF  }
0xa6: {  	s26 =	simm.s32 $execute0_lowered;
	[smem:$0x3FD2] =	sst s25  }
0xa7: {  	s6 =	sshll.u32 s26, $0x1;
	_ =	strace $0x80000046;
	[dreg:$0x1] =	wrdreg $0xFFFFFFFF  }
0xa8: {  	s28 =	simm.s32 $_size_execute0_lowered;
	s4 =	sadd.s32 s4, s6;
	[dreg:$0x0] =	wrdreg $0x0  }
0xa9: {  	s6 =	sshll.u32 s28, $0x1;
	[dreg:$0x2] =	wrdreg s4  }
0xaa: {  	[dreg:$0x3] =	wrdreg s6  }
0xab: {  	[dreg:$0x4] =	wrdreg $0xC0  }
0xac: {  	_ =	task [dreg:s8], $0x5FFFF  }
0xad: {  	[dreg:$0x1] =	wrdreg $0xFFFFFFFF  }
0xae: {  	[dreg:$0x0] =	wrdreg $0x60  }
0xaf: {  	[dreg:$0x2] =	wrdreg s2  }
0xb0: {  	[dreg:$0x3] =	wrdreg s24  }
0xb1: {  	[dreg:$0x4] =	wrdreg s18  }
0xb2: {  	[dreg:$0x5] =	wrdreg $0x9  }
0xb3: {  	_ =	task.clear_ibuf [dreg:s8], $0x6FFFF;
	_ =	strace $0x90000046  }
0xb4: {  	s29 =	simm.s32 $0x9;
	_ =	strace $0x80000048  }
0xb5: {  	_ =	swait.ge [sflag:s29], $0x1  }
0xb6: {  	[sflag:s29] =	ssyncadd.s32 $0xFFFFFFFF  }
0xb7: {  	_ =	strace $0x90000048  }
0xb8: {  	_ =	sfence  }
0xb9: {  	s30 =	sld [smem:$0x0];
	_ =	sdelay $0x2  }
0xba: {  	s31 =	sshll.u32 s1, $0xD;
	s1 =	sshrl.u32 s1, $0x2  }
0xbb: {  	s3 =	sand.u32 $0x4000, s31;
	s1 =	sadd.s32 s1, s30  }
0xbc: {  	s0 =	sor.u32 s3, s0;
	s1 =	sshll.u32 s1, $0x11  }
0xbd: {  	s0 =	sor.u32 s1, s0  }
0xbe: {  	s0 =	sadd.s32 $0x8F2B, s0  }
0xbf: {  	[sflag:s0] =	ssyncadd.remote.s32 $0x1  }
0xc0: {  	_ =	sfence.sel $0xFFFF  }
0xc1: {  	[dreg:$0x0] =	wrdreg $0xFFFFFFFF;
	(pc) =	sbr.abs _section_cstart, $3  }
0xc2: {  	[dreg:$0x1] =	wrdreg $0xFFFFFFFF  }
0xc3: {  	_ =	task.clear_ibuf [dreg:s8], $0x2FFFF;
	_ =	strace $0x9FFFFFFF  }
0xc4: {  	(tm) =	ssettm $0x7FFFFFFF  }
0xc5: {  	_ =	shalt  }
tec
execute0_lowered:
.L_overlay_start_1:
0x0: {  	(tag) =	ssettag $0x1  }
0x1: {  	s1 =	rddreg [dreg:$0x0]  }
0x2: {  	s0 =	rddreg [dreg:$0x1]  }
0x3: {  	s2 =	rddreg [dreg:$0x2];
	s4 =	srdreg.scid;
	s3 =	simm.s32 $0x0  }
0x4: {  	s5 =	stileid.u32;
	s16 =	simm.s32 $0x2000;
	s20 =	simm.s32 $0x4000  }
0x5: {  	s24 =	simm.s32 $0x6000;
	s29 =	simm.s32 $0x8000;
	s17 =	simm.s32 $0xC000  }
0x6: {  	s22 =	simm.s32 $0xE000;
	s26 =	simm.s32 $0x10000;
	s4 =	sand.u32 $0x1, s4  }
0x7: {  	[smem:$0x7FF] =	sst s3;
	s5 =	sshll.u32 s5, $0x5;
	s0 =	sadd.s32 $0x400, s0  }
0x8: {  	s1 =	sadd.s32 $0x100, s1;
	s6 =	sshll.u32 s4, $0x4;
	_ =	strace $0x80000047  }
0x9: {  	v0 =	vimm.s32 $0x2468ACE;
	v1 =	vimm.s32 $0x13579BDF;
	vm1 =	vcmask $0x1F00;
	s4 =	ssub.s32 $0x2, s4;
	[dreg:$0x5] =	wrdreg s0;
	s5 =	sor.u32 s6, s5  }
0xa: {  	vm0 =	vmmov $0xffff;
	v0 =	vunpack.c.l.s4.s8 v0;
	v1 =	vunpack.c.l.s4.s8 v1;
	s30 =	sshrl.u32 s4, $0x1;
	[dreg:$0x4] =	wrdreg s5;
	s5 =	sshll.u32 s5, $0x6  }
0xb: {  	v3 =	vimm.f32 $1.000000000e+00;
	vm2 =	vcmask $0x3F04;
	v2 =	vlaneseq.u32;
	[dreg:$0x6] =	wrdreg s1;
	s0 =	ssub.s32 s4, s30;
	s31 =	sadd.s32 s2, s5  }
0xc: {  	s10 =	simm.s32 $0x14000;
	v3 =	vsel vm2, $0x0, v3;
	v0 =	vunpack.c.0.s8.s32 v0;
	v1 =	vunpack.c.0.s8.s32 v1;
	s0 =	smax.u32 s0, $0x1;
	[dreg:$0x7] =	wrdreg s31  }
0xd: {  	s19 =	simm.s32 $0x16000;
	v5 =	vshrl.u32 v2, $0x3;
	v4 =	vand.u32 $0x7, v2;
	v6 =	vor.u32 $0x8, v2;
	s2 =	sadd.s32 $0x8000, s31;
	[dreg:$0xa] =	wrdreg s0  }
0xe: {  	v5 =	vmul.u32 $0x8, v5;
	v0 =	vand.u32 $0xF, v0;
	v1 =	vand.u32 $0xF, v1;
	s5 =	simm.s32 $0x0;
	s1 =	sadd.s32 $0x10000, s31;
	[dreg:$0x8] =	wrdreg s2  }
0xf: {  	s0 =	simm.s32 $0x12000;
	v0 =	vnsel vm1, $0x0, v0;
	v1 =	vnsel vm1, $0x0, v1;
	vm1 =	vmmov $0xff;
	[dreg:$0x9] =	wrdreg s1;
	s2 =	simm.s32 $0xA000  }
.LBB2_1:
0x10: {  	[dreg:$0xb] =	wrdreg s5  }
0x11: {  	s1 =	rddreg [dreg:$0x5];
	s4 =	simm.s32 $0x1C600;
	s14 =	simm.s32 $0xF  }
0x12: {  	[tilespmem:s4], [sflag:$0xF] =	stream.linear.gather [hbm4b:s1+s3], $0x80, $0x38;
	[tilespmem:$0x1C680] =	vst v63  }
0x13: {  	_ =	swait.ge [sflag:s14], $0x80  }
0x14: {  	[sflag:s14] =	ssyncset.done $0x0  }
0x15: {  	[sflag:s14] =	ssyncadd.s32 $0xFFFFFF80  }
0x16: {  	v7 =	vld [tilespmem:$0x1C600];
	_ =	sdelay $0x4  }
0x17: {  	v7 =	vadd.f32 $1.258291200e+07, v7;
	_ =	sdelay $0x1  }
0x18: {  	v7 =	vadd.f32 $-1.258291200e+07, v7;
	_ =	sdelay $0x1  }
0x19: {  	v7 =	vtrunc.f32 v7  }
0x1a: {  	v8 =	vcvt.f32.s32 v7  }
0x1b: {  	s15 =	rddreg [dreg:$0x4]  }
0x1c: {  	v9 =	vadd.s32 s15, v8  }
0x1d: {  	v11 =	vld.idx.msk [tilespmem:v1+s4+$0x0], $0xffff;
	v10 =	vbroadcast v9, $0x0  }
0x1e: {  	v7 =	vld.idx.msk [tilespmem:v0+s4+$0x0], $0xffff  }
0x1f: {  	v10 =	vadd.s32 v2, v10  }
0x20: {  	vm2 =	vgt.s32 v10, $0x0  }
0x21: {  	v10 =	vnsel vm2, $0x0, v10  }
0x22: {  	v24 =	vmin.u32 v10, $0x1FF  }
0x23: {  	v7 =	vmul.f32 v11, v7;
	v10 =	vshll.u32 v24, $0x2  }
0x24: {  	v11 =	vbroadcast v9, $0x2;
	v23 =	vand.u32 $0x7, v24;
	v10 =	vand.u32 $0x7E0, v10  }
0x25: {  	v10 =	vor.u32 v23, v10  }
0x26: {  	v7 =	vand.u32 $0x7FFFFFFF, v7;
	v11 =	vadd.s32 v2, v11;
	v12 =	vperm.xlane v10, v4  }
0x27: {  	v7 =	vnsel vm1, $0x0, v7;
	vm2 =	vgt.s32 v11, $0x0  }
0x28: {  	v11 =	vnsel vm2, $0x0, v11;
	vm2 =	vle.f32 v7, $9.999999710e-10;
	v12 =	vadd.s32 v5, v12  }
0x29: {  	v7 =	vsel vm2, $0x0, v7;
	v26 =	vmin.u32 v11, $0x1FF  }
0x2a: {  	(xrf2) =	vadd.scan.msk.f32 $0xffff, v7;
	v11 =	vor.u32 $0x600, v26;
	v10 =	vperm.xlane v10, v6  }
0x2b: {  	v14 =	vbroadcast v9, $0x4;
	v13 =	vshll.u32 v11, $0x2  }
0x2c: {  	s1 =	rddreg [dreg:$0x0];
	[tilespmem:$0x18000] =	vst v24;
	v25 =	vand.u32 $0x7, v26;
	v13 =	vand.u32 $0x1FE0, v13;
	v10 =	vadd.s32 v5, v10  }
0x2d: {  	v13 =	vor.u32 v25, v13;
	[tilespmem:s3], [sflag:$0x1] =	stream.indirect_vreg.gather [hbm4b:s1+s3], $0x80, v12, vm0, $0xb8;
	[tilespmem:$0x1C680] =	vst v63  }
0x2e: {  	s18 =	simm.s32 $0x800;
	s6 =	rddreg [dreg:$0x6];
	v14 =	vadd.s32 v2, v14;
	v15 =	vperm.xlane v13, v4  }
0x2f: {  	vm2 =	vgt.s32 v14, $0x0;
	[tilespmem:s18], [sflag:$0x1] =	stream.indirect_vreg.gather [hbm4b:s6+s3], $0x80, v12, vm0, $0xb8;
	[tilespmem:$0x1C680] =	vst v63  }
0x30: {  	s21 =	simm.s32 $0x1000;
	v14 =	vnsel vm2, $0x0, v14;
	v12 =	vadd.s32 v5, v15  }
0x31: {  	v27 =	vmin.u32 v14, $0x1FF;
	v13 =	vperm.xlane v13, v6;
	[tilespmem:s21], [sflag:$0x1] =	stream.indirect_vreg.gather [hbm4b:s1+s3], $0x80, v10, vm0, $0xb8;
	[tilespmem:$0x1C680] =	vst v63  }
0x32: {  	s23 =	simm.s32 $0x1800;
	v14 =	vor.u32 $0xC00, v27  }
0x33: {  	[tilespmem:s23], [sflag:$0x1] =	stream.indirect_vreg.gather [hbm4b:s6+s3], $0x80, v10, vm0, $0xb8;
	v10 =	vadd.s32 v5, v13;
	v13 =	vshll.u32 v14, $0x2;
	[tilespmem:$0x1C680] =	vst v63  }
0x34: {  	v28 =	vand.u32 $0x7, v27;
	v15, _, _ =	vpop (xrf2);
	[tilespmem:$0x18080] =	vst v11;
	v11 =	vand.u32 $0x37E0, v13;
	v13 =	vbroadcast v9, $0x6  }
0x35: {  	(v2sf) =	vpush v15, $0xF;
	[tilespmem:s16], [sflag:$0x2] =	stream.indirect_vreg.gather [hbm4b:s1+s3], $0x80, v12, vm0, $0xb8;
	v11 =	vor.u32 v28, v11;
	[tilespmem:$0x1C680] =	vst v63  }
0x36: {  	s25 =	simm.s32 $0x2800;
	v15 =	vperm.xlane v11, v4;
	v13 =	vadd.s32 v2, v13  }
0x37: {  	(v2sf) =	vpush v8, $0x1;
	[tilespmem:s25], [sflag:$0x2] =	stream.indirect_vreg.gather [hbm4b:s6+s3], $0x80, v12, vm0, $0xb8;
	vm2 =	vgt.s32 v13, $0x0;
	[tilespmem:$0x1C680] =	vst v63  }
0x38: {  	s5 =	simm.s32 $0x3000;
	v12 =	vadd.s32 v5, v15;
	v13 =	vnsel vm2, $0x0, v13  }
0x39: {  	(v2sf) =	vpush v8, $0x3;
	v11 =	vperm.xlane v11, v6;
	[tilespmem:s5], [sflag:$0x2] =	stream.indirect_vreg.gather [hbm4b:s1+s3], $0x80, v10, vm0, $0xb8;
	v29 =	vmin.u32 v13, $0x1FF;
	[tilespmem:$0x1C680] =	vst v63  }
0x3a: {  	s7 =	simm.s32 $0x3800;
	v13 =	vor.u32 $0x1200, v29  }
0x3b: {  	(v2sf) =	vpush v8, $0x5;
	[tilespmem:s7], [sflag:$0x2] =	stream.indirect_vreg.gather [hbm4b:s6+s3], $0x80, v10, vm0, $0xb8;
	v10 =	vadd.s32 v5, v11;
	v11 =	vshll.u32 v13, $0x2;
	[tilespmem:$0x1C680] =	vst v63  }
0x3c: {  	v30 =	vand.u32 $0x7, v29;
	[tilespmem:$0x18100] =	vst v14;
	v11 =	vand.u32 $0x4FE0, v11;
	v14 =	vbroadcast v9, $0x8  }
0x3d: {  	(v2sf) =	vpush v8, $0x7;
	[tilespmem:s20], [sflag:$0x3] =	stream.indirect_vreg.gather [hbm4b:s1+s3], $0x80, v12, vm0, $0xb8;
	v11 =	vor.u32 v30, v11;
	[tilespmem:$0x1C680] =	vst v63  }
0x3e: {  	s8 =	simm.s32 $0x4800;
	v15 =	vperm.xlane v11, v4;
	v14 =	vadd.s32 v2, v14  }
0x3f: {  	(v2sf) =	vpush v8, $0x9;
	[tilespmem:s8], [sflag:$0x3] =	stream.indirect_vreg.gather [hbm4b:s6+s3], $0x80, v12, vm0, $0xb8;
	vm2 =	vgt.s32 v14, $0x0;
	[tilespmem:$0x1C680] =	vst v63  }
0x40: {  	s9 =	simm.s32 $0x5000;
	v12 =	vadd.s32 v5, v15;
	v14 =	vnsel vm2, $0x0, v14  }
0x41: {  	(v2sf) =	vpush v8, $0xB;
	v11 =	vperm.xlane v11, v6;
	[tilespmem:s9], [sflag:$0x3] =	stream.indirect_vreg.gather [hbm4b:s1+s3], $0x80, v10, vm0, $0xb8;
	v15 =	vmin.u32 v14, $0x1FF;
	[tilespmem:$0x1C680] =	vst v63  }
0x42: {  	s11 =	simm.s32 $0x5800;
	v14 =	vor.u32 $0x1800, v15  }
0x43: {  	(v2sf) =	vpush v8, $0xD;
	[tilespmem:s11], [sflag:$0x3] =	stream.indirect_vreg.gather [hbm4b:s6+s3], $0x80, v10, vm0, $0xb8;
	v10 =	vadd.s32 v5, v11;
	v11 =	vshll.u32 v14, $0x2;
	[tilespmem:$0x1C680] =	vst v63  }
0x44: {  	s9 =	spop (v2sf);
	v16 =	vand.u32 $0x7, v15;
	[tilespmem:$0x18180] =	vst v13;
	v11 =	vand.u32 $0x67E0, v11  }
0x45: {  	(v2sf) =	vpush v8, $0xF;
	v13 =	vbroadcast v9, $0xA;
	[tilespmem:s24], [sflag:$0x4] =	stream.indirect_vreg.gather [hbm4b:s1+s3], $0x80, v12, vm0, $0xb8;
	v8 =	vor.u32 v16, v11;
	[tilespmem:$0x1C680] =	vst v63  }
0x46: {  	s12 =	simm.s32 $0x6800;
	s11 =	spop (v2sf);
	(v2sf) =	vpush v9, $0xE;
	v11 =	vperm.xlane v8, v4  }
0x47: {  	v13 =	vadd.s32 v2, v13;
	[tilespmem:s12], [sflag:$0x4] =	stream.indirect_vreg.gather [hbm4b:s6+s3], $0x80, v12, vm0, $0xb8;
	[tilespmem:$0x1C680] =	vst v63  }
0x48: {  	s13 =	simm.s32 $0x7000;
	vm2 =	vgt.s32 v13, $0x0;
	s12 =	spop (v2sf);
	v11 =	vadd.s32 v5, v11  }
0x49: {  	v12 =	vnsel vm2, $0x0, v13;
	[tilespmem:s13], [sflag:$0x4] =	stream.indirect_vreg.gather [hbm4b:s1+s3], $0x80, v10, vm0, $0xb8;
	[tilespmem:$0x1C680] =	vst v63  }
0x4a: {  	s14 =	simm.s32 $0x7800;
	v8 =	vperm.xlane v8, v6;
	s15 =	spop (v2sf);
	v17 =	vmin.u32 v12, $0x1FF  }
0x4b: {  	v12 =	vor.u32 $0x1E00, v17;
	[tilespmem:s14], [sflag:$0x4] =	stream.indirect_vreg.gather [hbm4b:s6+s3], $0x80, v10, vm0, $0xb8;
	[tilespmem:$0x1C680] =	vst v63  }
0x4c: {  	v8 =	vadd.s32 v5, v8;
	s5 =	spop (v2sf);
	v10 =	vshll.u32 v12, $0x2;
	[tilespmem:$0x18200] =	vst v14  }
0x4d: {  	v9 =	vbroadcast v9, $0xC;
	v18 =	vand.u32 $0x7, v17;
	v10 =	vand.u32 $0x7FE0, v10;
	[tilespmem:s29], [sflag:$0x5] =	stream.indirect_vreg.gather [hbm4b:s1+s3], $0x80, v11, vm0, $0xb8;
	[tilespmem:$0x1C680] =	vst v63  }
0x4e: {  	s18 =	simm.s32 $0x8800;
	s28 =	spop (v2sf);
	v10 =	vor.u32 v18, v10  }
0x4f: {  	v9 =	vadd.s32 v2, v9;
	v13 =	vperm.xlane v10, v4;
	[tilespmem:s18], [sflag:$0x5] =	stream.indirect_vreg.gather [hbm4b:s6+s3], $0x80, v11, vm0, $0xb8;
	[tilespmem:$0x1C680] =	vst v63  }
0x50: {  	s21 =	simm.s32 $0x9000;
	vm2 =	vgt.s32 v9, $0x0;
	s30 =	spop (v2sf)  }
0x51: {  	v9 =	vnsel vm2, $0x0, v9;
	v11 =	vadd.s32 v5, v13;
	[tilespmem:s21], [sflag:$0x5] =	stream.indirect_vreg.gather [hbm4b:s1+s3], $0x80, v8, vm0, $0xb8;
	[tilespmem:$0x1C680] =	vst v63  }
0x52: {  	s23 =	simm.s32 $0x9800;
	v19 =	vmin.u32 v9, $0x1FF;
	s31 =	spop (v2sf)  }
0x53: {  	v9 =	vor.u32 $0x2400, v19;
	[tilespmem:s23], [sflag:$0x5] =	stream.indirect_vreg.gather [hbm4b:s6+s3], $0x80, v8, vm0, $0xb8;
	v8 =	vperm.xlane v10, v6;
	[tilespmem:$0x1C680] =	vst v63  }
0x54: {  	s8 =	spop (v2sf);
	v10 =	vshll.u32 v9, $0x2  }
0x55: {  	v20 =	vand.u32 $0x7, v19;
	s25 =	spop (v2sf);
	[tilespmem:$0x18280] =	vst v12;
	v10 =	vand.u32 $0x97E0, v10;
	v8 =	vadd.s32 v5, v8  }
0x56: {  	[tilespmem:s2], [sflag:$0x6] =	stream.indirect_vreg.gather [hbm4b:s1+s3], $0x80, v11, vm0, $0xb8;
	v10 =	vor.u32 v20, v10;
	[tilespmem:$0x1C680] =	vst v63  }
0x57: {  	s7 =	simm.s32 $0xA800;
	v13 =	vadd.s32 s25, v2;
	v12 =	vperm.xlane v10, v4  }
0x58: {  	vm2 =	vgt.s32 v13, $0x0;
	[tilespmem:s7], [sflag:$0x6] =	stream.indirect_vreg.gather [hbm4b:s6+s3], $0x80, v11, vm0, $0xb8;
	[tilespmem:$0x1C680] =	vst v63  }
0x59: {  	s13 =	simm.s32 $0xB000;
	v11 =	vadd.s32 v5, v12;
	v12 =	vnsel vm2, $0x0, v13  }
0x5a: {  	v21 =	vmin.u32 v12, $0x1FF;
	[tilespmem:s13], [sflag:$0x6] =	stream.indirect_vreg.gather [hbm4b:s1+s3], $0x80, v8, vm0, $0xb8;
	[tilespmem:$0x1C680] =	vst v63  }
0x5b: {  	s14 =	simm.s32 $0xB800;
	v10 =	vperm.xlane v10, v6;
	v12 =	vor.u32 $0x2A00, v21  }
0x5c: {  	[tilespmem:s14], [sflag:$0x6] =	stream.indirect_vreg.gather [hbm4b:s6+s3], $0x80, v8, vm0, $0xb8;
	v8 =	vshll.u32 v12, $0x2;
	[tilespmem:$0x1C680] =	vst v63  }
0x5d: {  	v22 =	vand.u32 $0x7, v21;
	[tilespmem:$0x18300] =	vst v9;
	v9 =	vadd.s32 v5, v10;
	v8 =	vand.u32 $0xAFE0, v8  }
0x5e: {  	[tilespmem:s17], [sflag:$0x7] =	stream.indirect_vreg.gather [hbm4b:s1+s3], $0x80, v11, vm0, $0xb8;
	v8 =	vor.u32 v22, v8;
	[tilespmem:$0x1C680] =	vst v63  }
0x5f: {  	s18 =	simm.s32 $0xC800;
	v10 =	vperm.xlane v8, v4  }
0x60: {  	[tilespmem:s18], [sflag:$0x7] =	stream.indirect_vreg.gather [hbm4b:s6+s3], $0x80, v11, vm0, $0xb8;
	[tilespmem:$0x1C680] =	vst v63  }
0x61: {  	s21 =	simm.s32 $0xD000;
	v10 =	vadd.s32 v5, v10  }
0x62: {  	[tilespmem:s21], [sflag:$0x7] =	stream.indirect_vreg.gather [hbm4b:s1+s3], $0x80, v9, vm0, $0xb8;
	[tilespmem:$0x1C680] =	vst v63  }
0x63: {  	s23 =	simm.s32 $0xD800;
	v8 =	vperm.xlane v8, v6;
	v11 =	vor.u32 $0x200, v24  }
0x64: {  	[tilespmem:s23], [sflag:$0x7] =	stream.indirect_vreg.gather [hbm4b:s6+s3], $0x80, v9, vm0, $0xb8;
	v9 =	vshll.u32 v11, $0x2;
	[tilespmem:$0x1C680] =	vst v63  }
0x65: {  	v8 =	vadd.s32 v5, v8;
	[tilespmem:$0x18380] =	vst v12;
	v9 =	vand.u32 $0xFE0, v9  }
0x66: {  	[tilespmem:s22], [sflag:$0x8] =	stream.indirect_vreg.gather [hbm4b:s1+s3], $0x80, v10, vm0, $0xb8;
	v9 =	vor.u32 v23, v9;
	[tilespmem:$0x1C680] =	vst v63  }
0x67: {  	s25 =	simm.s32 $0xE800;
	v12 =	vperm.xlane v9, v4  }
0x68: {  	[tilespmem:s25], [sflag:$0x8] =	stream.indirect_vreg.gather [hbm4b:s6+s3], $0x80, v10, vm0, $0xb8;
	[tilespmem:$0x1C680] =	vst v63  }
0x69: {  	s7 =	simm.s32 $0xF000;
	v10 =	vadd.s32 v5, v12  }
0x6a: {  	[tilespmem:s7], [sflag:$0x8] =	stream.indirect_vreg.gather [hbm4b:s1+s3], $0x80, v8, vm0, $0xb8;
	[tilespmem:$0x1C680] =	vst v63  }
0x6b: {  	s13 =	simm.s32 $0xF800;
	v9 =	vperm.xlane v9, v6;
	v12 =	vor.u32 $0x800, v26  }
0x6c: {  	[tilespmem:s13], [sflag:$0x8] =	stream.indirect_vreg.gather [hbm4b:s6+s3], $0x80, v8, vm0, $0xb8;
	v8 =	vshll.u32 v12, $0x2;
	[tilespmem:$0x1C680] =	vst v63  }
0x6d: {  	v9 =	vadd.s32 v5, v9;
	[tilespmem:$0x18400] =	vst v11;
	v8 =	vand.u32 $0x27E0, v8  }
0x6e: {  	[tilespmem:s26], [sflag:$0x9] =	stream.indirect_vreg.gather [hbm4b:s1+s3], $0x80, v10, vm0, $0xb8;
	v8 =	vor.u32 v25, v8;
	[tilespmem:$0x1C680] =	vst v63  }
0x6f: {  	s14 =	simm.s32 $0x10800;
	v11 =	vperm.xlane v8, v4  }
0x70: {  	[tilespmem:s14], [sflag:$0x9] =	stream.indirect_vreg.gather [hbm4b:s6+s3], $0x80, v10, vm0, $0xb8;
	[tilespmem:$0x1C680] =	vst v63  }
0x71: {  	s18 =	simm.s32 $0x11000;
	v10 =	vadd.s32 v5, v11  }
0x72: {  	[tilespmem:s18], [sflag:$0x9] =	stream.indirect_vreg.gather [hbm4b:s1+s3], $0x80, v9, vm0, $0xb8;
	[tilespmem:$0x1C680] =	vst v63  }
0x73: {  	s21 =	simm.s32 $0x11800;
	v8 =	vperm.xlane v8, v6;
	v11 =	vor.u32 $0xE00, v27  }
0x74: {  	[tilespmem:s21], [sflag:$0x9] =	stream.indirect_vreg.gather [hbm4b:s6+s3], $0x80, v9, vm0, $0xb8;
	v9 =	vshll.u32 v11, $0x2;
	[tilespmem:$0x1C680] =	vst v63  }
0x75: {  	v8 =	vadd.s32 v5, v8;
	[tilespmem:$0x18480] =	vst v12;
	v9 =	vand.u32 $0x3FE0, v9  }
0x76: {  	[tilespmem:s0], [sflag:$0xA] =	stream.indirect_vreg.gather [hbm4b:s1+s3], $0x80, v10, vm0, $0xb8;
	v9 =	vor.u32 v28, v9;
	[tilespmem:$0x1C680] =	vst v63  }
0x77: {  	s23 =	simm.s32 $0x12800;
	v12 =	vperm.xlane v9, v4  }
0x78: {  	[tilespmem:s23], [sflag:$0xA] =	stream.indirect_vreg.gather [hbm4b:s6+s3], $0x80, v10, vm0, $0xb8;
	[tilespmem:$0x1C680] =	vst v63  }
0x79: {  	s25 =	simm.s32 $0x13000;
	v10 =	vadd.s32 v5, v12  }
0x7a: {  	[tilespmem:s25], [sflag:$0xA] =	stream.indirect_vreg.gather [hbm4b:s1+s3], $0x80, v8, vm0, $0xb8;
	[tilespmem:$0x1C680] =	vst v63  }
0x7b: {  	s7 =	simm.s32 $0x13800;
	v9 =	vperm.xlane v9, v6;
	v12 =	vor.u32 $0x1400, v29  }
0x7c: {  	[tilespmem:s7], [sflag:$0xA] =	stream.indirect_vreg.gather [hbm4b:s6+s3], $0x80, v8, vm0, $0xb8;
	v8 =	vshll.u32 v12, $0x2;
	[tilespmem:$0x1C680] =	vst v63  }
0x7d: {  	s13 =	sand.u32 $0x7FFFFFFF, s9;
	v9 =	vadd.s32 v5, v9;
	[tilespmem:$0x18500] =	vst v11;
	v8 =	vand.u32 $0x57E0, v8  }
0x7e: {  	[tilespmem:s10], [sflag:$0xB] =	stream.indirect_vreg.gather [hbm4b:s1+s3], $0x80, v10, vm0, $0xb8;
	v8 =	vor.u32 v30, v8;
	[tilespmem:$0x1C680] =	vst v63  }
0x7f: {  	p0 =	sle.f32 s13, $9.999999710e-10;
	s14 =	simm.s32 $0x14800;
	v11 =	vperm.xlane v8, v4  }
0x80: {  	[tilespmem:s14], [sflag:$0xB] =	stream.indirect_vreg.gather [hbm4b:s6+s3], $0x80, v10, vm0, $0xb8;
	[tilespmem:$0x1C680] =	vst v63  }
0x81: {  	s9 =	simm.s32 @p0 $0x3F800000;
	s18 =	simm.s32 $0x15000;
	v10 =	vadd.s32 v5, v11  }
0x82: {  	[tilespmem:s18], [sflag:$0xB] =	stream.indirect_vreg.gather [hbm4b:s1+s3], $0x80, v9, vm0, $0xb8;
	[tilespmem:$0x1C680] =	vst v63  }
0x83: {  	s21 =	simm.s32 $0x15800;
	v8 =	vperm.xlane v8, v6;
	v11 =	vmov s9  }
0x84: {  	(erf) = vrcp.f32 v11;
	[tilespmem:s21], [sflag:$0xB] =	stream.indirect_vreg.gather [hbm4b:s6+s3], $0x80, v9, vm0, $0xb8;
	[tilespmem:$0x1C680] =	vst v63  }
0x85: {  	v8 =	vadd.s32 v5, v8;
	[tilespmem:$0x18580] =	vst v12  }
0x86: {  	[tilespmem:s19], [sflag:$0xC] =	stream.indirect_vreg.gather [hbm4b:s1+s3], $0x80, v10, vm0, $0xb8;
	[tilespmem:$0x1C680] =	vst v63  }
0x87: {  	s23 =	simm.s32 $0x16800  }
0x88: {  	[tilespmem:s23], [sflag:$0xC] =	stream.indirect_vreg.gather [hbm4b:s6+s3], $0x80, v10, vm0, $0xb8;
	[tilespmem:$0x1C680] =	vst v63  }
0x89: {  	s25 =	simm.s32 $0x17000  }
0x8a: {  	[tilespmem:s25], [sflag:$0xC] =	stream.indirect_vreg.gather [hbm4b:s1+s3], $0x80, v8, vm0, $0xb8;
	[tilespmem:$0x1C680] =	vst v63  }
0x8b: {  	s4 =	simm.s32 $0x17800  }
0x8c: {  	[tilespmem:s4], [sflag:$0xC] =	stream.indirect_vreg.gather [hbm4b:s6+s3], $0x80, v8, vm0, $0xb8;
	[tilespmem:$0x1C680] =	vst v63  }
0x8d: {  	v9 =	vpop (erf);
	s6 =	simm.s32 $0x1  }
0x8e: {  	_ =	swait.ge [sflag:s6], $0x2000  }
0x8f: {  	[sflag:s6] =	ssyncset.done $0x0  }
0x90: {  	s7 =	simm.s32 $0x2;
	[sflag:s6] =	ssyncadd.s32 $0xFFFFE000  }
0x91: {  	_ =	swait.ge [sflag:s7], $0x2000  }
0x92: {  	[sflag:s7] =	ssyncset.done $0x0  }
0x93: {  	s9 =	simm.s32 $0x3;
	[sflag:s7] =	ssyncadd.s32 $0xFFFFE000  }
0x94: {  	_ =	swait.ge [sflag:s9], $0x2000  }
0x95: {  	[sflag:s9] =	ssyncset.done $0x0  }
0x96: {  	s13 =	simm.s32 $0x4;
	[sflag:s9] =	ssyncadd.s32 $0xFFFFE000  }
0x97: {  	_ =	swait.ge [sflag:s13], $0x2000  }
0x98: {  	[sflag:s13] =	ssyncset.done $0x0  }
0x99: {  	s14 =	simm.s32 $0x5;
	v7 =	vmul.f32 v9, v7;
	[sflag:s13] =	ssyncadd.s32 $0xFFFFE000  }
0x9a: {  	s4 =	simm.f32 $1.000000000e+00;
	_ =	swait.ge [sflag:s14], $0x2000  }
0x9b: {  	s4 =	simm.s32 @!p0 $0x0;
	v8 =	vand.u32 $0x7FFFFFFF, v7;
	[sflag:s14] =	ssyncset.done $0x0  }
0x9c: {  	s21 =	simm.s32 $0x6;
	s18 =	ssub.f32 $1.000000000e+00, s4;
	vm2 =	vle.f32 v8, $9.999999710e-10;
	[sflag:s14] =	ssyncadd.s32 $0xFFFFE000  }
0x9d: {  	v7 =	vsel vm2, $0x0, v7;
	_ =	swait.ge [sflag:s21], $0x2000  }
0x9e: {  	v8 =	vmul.f32 s4, v3;
	v7 =	vmul.f32 s18, v7;
	[sflag:s21] =	ssyncset.done $0x0  }
0x9f: {  	s23 =	simm.s32 $0x7;
	[sflag:s21] =	ssyncadd.s32 $0xFFFFE000  }
0xa0: {  	v14 =	vadd.f32 v7, v8;
	_ =	swait.ge [sflag:s23], $0x2000  }
0xa1: {  	[sflag:s23] =	ssyncset.done $0x0  }
0xa2: {  	s25 =	simm.s32 $0x8;
	v7 =	vbroadcast v14, $0x0;
	v8 =	vbroadcast v14, $0x1;
	[sflag:s23] =	ssyncadd.s32 $0xFFFFE000  }
0xa3: {  	v9 =	vbroadcast v14, $0x2;
	v10 =	vbroadcast v14, $0x3;
	_ =	swait.ge [sflag:s25], $0x2000  }
0xa4: {  	v11 =	vbroadcast v14, $0x4;
	v12 =	vbroadcast v14, $0x5;
	[sflag:s25] =	ssyncset.done $0x0  }
0xa5: {  	v13 =	vbroadcast v14, $0x6;
	v14 =	vbroadcast v14, $0x7;
	s9 =	simm.s32 $0x0;
	[sflag:s25] =	ssyncadd.s32 $0xFFFFE000  }
.LBB2_2:
0xa6: {  	s14 =	sshll.u32 s9, $0x4  }
0xa7: {  	s4 =	sadd.s32 s11, s14;
	s13 =	sadd.s32 s12, s14;
	s18 =	sadd.s32 s15, s14  }
0xa8: {  	s21 =	sadd.s32 s5, s14;
	s23 =	sadd.s32 s28, s14;
	s25 =	sadd.s32 s30, s14;
	v31 =	vadd.s32 s4, v2;
	v32 =	vadd.s32 s13, v2;
	v33 =	vadd.s32 s18, v2  }
0xa9: {  	s1 =	sadd.s32 s31, s14;
	s6 =	sadd.s32 s8, s14;
	v49 =	vadd.s32 s21, v2;
	v50 =	vadd.s32 s23, v2;
	v36 =	vadd.s32 s25, v2  }
0xaa: {  	v52 =	vadd.s32 s1, v2;
	v53 =	vadd.s32 s6, v2;
	s13 =	simm.s32 $0x0;
	vm2 =	vgt.s32 v31, $0x0  }
0xab: {  	v42 =	vmov s13;
	v31 =	vnsel vm2, $0x0, v31;
	vm2 =	vgt.s32 v32, $0x0  }
0xac: {  	v62 =	vshll.u32 v42, $0x7;
	v31 =	vmin.u32 v31, $0x1FF;
	v32 =	vnsel vm2, $0x0, v32  }
0xad: {  	vm2 =	vgt.s32 v33, $0x0;
	v43 =	vand.u32 $0x380, v62;
	v34 =	vmin.u32 v32, $0x1FF  }
0xae: {  	v48 =	vnsel vm2, $0x0, v33;
	vm2 =	vgt.s32 v49, $0x0;
	v54 =	vshll.u32 v31, $0x3  }
0xaf: {  	v31 =	vand.u32 $0x7F, v31;
	v35 =	vmin.u32 v48, $0x1FF;
	v33 =	vnsel vm2, $0x0, v49  }
0xb0: {  	vm2 =	vgt.s32 v50, $0x0;
	v55 =	vshll.u32 v34, $0x3;
	v37 =	vmin.u32 v33, $0x1FF  }
0xb1: {  	v32 =	vnsel vm2, $0x0, v50;
	vm2 =	vgt.s32 v36, $0x0;
	v56 =	vshll.u32 v35, $0x3  }
0xb2: {  	v35 =	vand.u32 $0x7F, v35;
	v38 =	vmin.u32 v32, $0x1FF;
	v51 =	vnsel vm2, $0x0, v36  }
0xb3: {  	vm2 =	vgt.s32 v52, $0x0;
	v36 =	vand.u32 $0xC00, v54;
	v57 =	vand.u32 $0x7F, v37  }
0xb4: {  	v39 =	vmin.u32 v51, $0x1FF;
	v33 =	vnsel vm2, $0x0, v52;
	vm2 =	vgt.s32 v53, $0x0  }
0xb5: {  	v58 =	vshll.u32 v38, $0x3;
	v59 =	vand.u32 $0x7F, v38;
	v32 =	vnsel vm2, $0x0, v53  }
0xb6: {  	v40 =	vmin.u32 v33, $0x1FF;
	v33 =	vand.u32 $0xC00, v55;
	v60 =	vand.u32 $0xC00, v58  }
0xb7: {  	v61 =	vand.u32 $0x7F, v39;
	v41 =	vmin.u32 v32, $0x1FF;
	v32 =	vor.u32 v36, v31  }
0xb8: {  	v31 =	vand.u32 $0x7F, v34;
	v34 =	vand.u32 $0xC00, v56;
	v51 =	vshll.u32 v40, $0x3  }
0xb9: {  	v40 =	vand.u32 $0x7F, v40;
	v33 =	vor.u32 v33, v31;
	v31 =	vshll.u32 v37, $0x3  }
0xba: {  	v34 =	vor.u32 v34, v35;
	v35 =	vor.u32 v60, v59;
	v31 =	vand.u32 $0xC00, v31  }
0xbb: {  	v46 =	vand.u32 $0xC00, v51;
	v36 =	vor.u32 v31, v57;
	v31 =	vshll.u32 v42, $0x9  }
0xbc: {  	v53 =	vshll.u32 v41, $0x3;
	v37 =	vor.u32 v46, v40;
	v63 =	vand.u32 $0x1000, v31  }
0xbd: {  	v31 =	vshll.u32 v39, $0x3;
	v39 =	vand.u32 $0xC00, v53;
	v49 =	vor.u32 v32, v63  }
0xbe: {  	v31 =	vand.u32 $0xC00, v31;
	v50 =	vor.u32 v33, v63;
	v52 =	vor.u32 v34, v63  }
0xbf: {  	v54 =	vor.u32 v35, v63;
	v58 =	vor.u32 v37, v63;
	v44 =	vor.u32 v43, v49  }
0xc0: {  	s7 =	sand.u32 $0x70, s14;
	s14 =	simm.s32 $0x1;
	v45 =	vor.u32 v43, v50;
	v47 =	vor.u32 v43, v52;
	v38 =	vor.u32 v31, v61  }
0xc1: {  	v31 =	vor.u32 v36, v63;
	v40 =	vor.u32 v43, v54;
	v49 =	vmov s14  }
0xc2: {  	v55 =	vor.u32 v43, v31;
	v31 =	vand.u32 $0x7F, v41;
	v48 =	vor.u32 v38, v63  }
0xc3: {  	v50 =	vshll.u32 v49, $0x9;
	v59 =	vshll.u32 v49, $0x7;
	v39 =	vor.u32 v39, v31  }
0xc4: {  	v48 =	vor.u32 v43, v48;
	v60 =	vand.u32 $0x1000, v50;
	v42 =	vor.u32 v39, v63;
	v56 =	vld.idx.msk [tilespmem:v44+s3+$0x0], $0xffff  }
0xc5: {  	v31 =	vmov s7;
	v50 =	vor.u32 v32, v60;
	v42 =	vor.u32 v43, v42;
	v57 =	vld.idx.msk [tilespmem:v45+s16+$0x0], $0xffff  }
0xc6: {  	v51 =	vor.u32 v33, v60;
	v47 =	vld.idx.msk [tilespmem:v47+s20+$0x0], $0xffff;
	v45 =	vor.u32 v43, v58;
	v43 =	vand.u32 $0x380, v59  }
0xc7: {  	v52 =	vor.u32 v34, v60;
	v53 =	vor.u32 v36, v60;
	v40 =	vld.idx.msk [tilespmem:v40+s29+$0x0], $0xffff;
	v50 =	vor.u32 v43, v50  }
0xc8: {  	v54 =	vor.u32 v35, v60;
	v61 =	vor.u32 v38, v60;
	v46 =	vld.idx.msk [tilespmem:v55+s24+$0x0], $0xffff;
	v52 =	vor.u32 v43, v52  }
0xc9: {  	v62 =	vor.u32 v37, v60;
	v63 =	vor.u32 v39, v60;
	v51 =	vor.u32 v43, v51;
	v48 =	vld.idx.msk [tilespmem:v48+s2+$0x0], $0xffff  }
0xca: {  	v53 =	vor.u32 v43, v53;
	v42 =	vld.idx.msk [tilespmem:v42+s22+$0x0], $0xffff;
	v41 =	vmul.f32 v56, v7;
	v44 =	vmul.f32 v57, v8  }
0xcb: {  	v54 =	vor.u32 v43, v54;
	v58 =	vor.u32 v43, v62;
	v59 =	vor.u32 v43, v63;
	v45 =	vld.idx.msk [tilespmem:v45+s17+$0x0], $0xffff  }
0xcc: {  	s18 =	simm.s32 $0x2;
	v47 =	vmul.f32 v47, v9;
	v55 =	vmul.f32 v40, v11;
	v57 =	vld.idx.msk [tilespmem:v50+s3+$0x0], $0xffff;
	v41 =	vadd.f32 v44, v41  }
0xcd: {  	v56 =	vor.u32 v43, v61;
	v46 =	vmul.f32 v46, v10;
	v49 =	vld.idx.msk [tilespmem:v52+s20+$0x0], $0xffff;
	v52 =	vmov s18  }
0xce: {  	v62 =	vshll.u32 v52, $0x9;
	v63 =	vshll.u32 v52, $0x7;
	v41 =	vadd.f32 v47, v41  }
0xcf: {  	v60 =	vld.idx.msk [tilespmem:v51+s16+$0x0], $0xffff;
	v51 =	vmul.f32 v48, v12;
	v44 =	vand.u32 $0x380, v63;
	v43 =	vmul.f32 v42, v14  }
0xd0: {  	v48 =	vld.idx.msk [tilespmem:v53+s24+$0x0], $0xffff;
	v40 =	vmul.f32 v45, v13;
	v45 =	vand.u32 $0x1000, v62;
	v41 =	vadd.f32 v46, v41  }
0xd1: {  	s21 =	sshll.u32 s9, $0x7;
	v47 =	vld.idx.msk [tilespmem:v54+s29+$0x0], $0xffff;
	v61 =	vor.u32 v32, v45;
	v62 =	vor.u32 v33, v45;
	v52 =	vmul.f32 v57, v7  }
0xd2: {  	s4 =	sand.u32 $0xC00, s21;
	v42 =	vld.idx.msk [tilespmem:v56+s2+$0x0], $0xffff;
	v63 =	vor.u32 v34, v45;
	v49 =	vmul.f32 v49, v9;
	v41 =	vadd.f32 v55, v41  }
0xd3: {  	s25 =	simm.s32 $0x3;
	s23 =	sand.u32 $0x1000, s13;
	s14 =	sadd.s32 $0x18600, s4;
	v46 =	vld.idx.msk [tilespmem:v58+s17+$0x0], $0xffff;
	v56 =	vor.u32 v36, v45;
	v53 =	vor.u32 v44, v61;
	v50 =	vor.u32 v44, v62  }
0xd4: {  	s21 =	simm.s32 $0x0;
	s18 =	sadd.s32 s23, s14;
	s23 =	simm.s32 $0x0;
	v54 =	vor.u32 v44, v63;
	v55 =	vmul.f32 v60, v8;
	v51 =	vadd.f32 v51, v41;
	v41 =	vld.idx.msk [tilespmem:v59+s22+$0x0], $0xffff  }
.LBB2_3:
0xd5: {  	s13 =	sadd.s32 $0x80, s13  }
0xd6: {  	v57 =	vor.u32 v35, v45;
	v48 =	vmul.f32 v48, v10;
	v40 =	vadd.f32 v40, v51;
	s23 =	sadd.s32 $0x200, s23;
	s4 =	smov.u32 s25;
	s7 =	sadd.s32 $0x1, s25  }
0xd7: {  	p0 =	sne.s32 s25, $0xF;
	v51 =	vor.u32 v44, v56;
	v56 =	vor.u32 v44, v57;
	v52 =	vadd.f32 v55, v52;
	s25 =	sand.u32 $0x1000, s23  }
0xd8: {  	s1 =	sand.u32 $0x380, s21;
	v57 =	vmul.f32 v47, v11;
	s21 =	smov.u32 s13;
	v55 =	vld.idx.msk [tilespmem:v53+s3+$0x0], $0xffff;
	v53 =	vor.u32 v38, v45;
	s25 =	sadd.s32 s25, s14;
	v43 =	vadd.f32 v43, v40  }
0xd9: {  	s1 =	sadd.s32 s1, s18;
	v40 =	vor.u32 v37, v45;
	v58 =	vld.idx.msk [tilespmem:v50+s16+$0x0], $0xffff;
	v50 =	vor.u32 v44, v53;
	v47 =	vadd.f32 v49, v52;
	s18 =	smov.u32 s25  }
0xda: {  	v45 =	vor.u32 v39, v45;
	v49 =	vld.idx.msk [tilespmem:v54+s20+$0x0], $0xffff;
	v54 =	vor.u32 v44, v40;
	v40 =	vmul.f32 v46, v13  }
0xdb: {  	v59 =	vor.u32 v44, v45;
	v46 =	vmov s4;
	v52 =	vadd.f32 v48, v47;
	[tilespmem:v31+s1+$0x0 ss:$0x1] =	vst.idx.msk $0xffff, v43  }
0xdc: {  	v43 =	vshll.u32 v46, $0x9;
	v44 =	vshll.u32 v46, $0x7;
	v48 =	vld.idx.msk [tilespmem:v51+s24+$0x0], $0xffff;
	v51 =	vmul.f32 v42, v12  }
.Ltmp0:
0xdd: {  	v45 =	vand.u32 $0x1000, v43;
	v44 =	vand.u32 $0x380, v44;
	v47 =	vld.idx.msk [tilespmem:v56+s29+$0x0], $0xffff;
	v56 =	vadd.f32 v57, v52;
	(pc) =	sbr.rel @p0 .LBB2_3-.Ltmp0, $4  }
0xde: {  	v43 =	vmul.f32 v41, v14;
	v46 =	vor.u32 v32, v45;
	v52 =	vor.u32 v33, v45;
	v42 =	vld.idx.msk [tilespmem:v50+s2+$0x0], $0xffff  }
0xdf: {  	v53 =	vor.u32 v44, v46;
	v50 =	vor.u32 v44, v52;
	v52 =	vmul.f32 v55, v7;
	v46 =	vld.idx.msk [tilespmem:v54+s17+$0x0], $0xffff  }
0xe0: {  	v54 =	vor.u32 v34, v45;
	v49 =	vmul.f32 v49, v9;
	v51 =	vadd.f32 v51, v56;
	v41 =	vld.idx.msk [tilespmem:v59+s22+$0x0], $0xffff  }
0xe1: {  	s25 =	smov.u32 s7;
	v55 =	vmul.f32 v58, v8;
	v56 =	vor.u32 v36, v45;
	v54 =	vor.u32 v44, v54  }
0xe2: {  	_ =	sdelay $0x3  }
0xe3: {  	v32 =	vor.u32 v44, v56;
	v33 =	vld.idx.msk [tilespmem:v53+s3+$0x0], $0xffff  }
0xe4: {  	v34 =	vor.u32 v35, v45;
	v62 =	vld.idx.msk [tilespmem:v50+s16+$0x0], $0xffff  }
0xe5: {  	v34 =	vor.u32 v44, v34  }
0xe6: {  	v36 =	vor.u32 v38, v45;
	v63 =	vld.idx.msk [tilespmem:v54+s20+$0x0], $0xffff  }
0xe7: {  	v36 =	vor.u32 v44, v36  }
0xe8: {  	v37 =	vor.u32 v37, v45;
	v32 =	vld.idx.msk [tilespmem:v32+s24+$0x0], $0xffff  }
0xe9: {  	v37 =	vor.u32 v44, v37;
	v33 =	vmul.f32 v33, v7;
	v35 =	vmul.f32 v62, v8  }
0xea: {  	v39 =	vor.u32 v39, v45;
	v53 =	vadd.f32 v55, v52;
	v34 =	vld.idx.msk [tilespmem:v34+s29+$0x0], $0xffff  }
0xeb: {  	v39 =	vor.u32 v44, v39;
	v38 =	vmul.f32 v63, v9;
	v33 =	vadd.f32 v35, v33  }
0xec: {  	v54 =	vmul.f32 v48, v10;
	v55 =	vadd.f32 v49, v53;
	v36 =	vld.idx.msk [tilespmem:v36+s2+$0x0], $0xffff  }
0xed: {  	v33 =	vadd.f32 v38, v33;
	v32 =	vmul.f32 v32, v10  }
0xee: {  	v56 =	vmul.f32 v47, v11;
	v37 =	vld.idx.msk [tilespmem:v37+s17+$0x0], $0xffff;
	v35 =	vadd.f32 v54, v55  }
0xef: {  	v34 =	vmul.f32 v34, v11;
	v32 =	vadd.f32 v32, v33  }
0xf0: {  	v57 =	vmul.f32 v42, v12;
	v58 =	vld.idx.msk [tilespmem:v39+s22+$0x0], $0xffff;
	v35 =	vadd.f32 v56, v35  }
0xf1: {  	v36 =	vmul.f32 v36, v12;
	v32 =	vadd.f32 v34, v32  }
0xf2: {  	s1 =	sadd.s32 $0x80, s13;
	v59 =	vmul.f32 v46, v13;
	v33 =	vadd.f32 v57, v35  }
0xf3: {  	v60 =	vadd.f32 v40, v51;
	s4 =	sadd.s32 $0x200, s23;
	s6 =	sand.u32 $0x380, s21;
	s9 =	sadd.s32 $0x1, s9;
	v37 =	vmul.f32 v37, v13;
	v32 =	vadd.f32 v36, v32  }
0xf4: {  	s7 =	sand.u32 $0x1000, s4;
	s4 =	sadd.s32 $0x200, s4;
	p0 =	sne.s32 s9, $0x20;
	v61 =	vmul.f32 v41, v14;
	v33 =	vadd.f32 v59, v33  }
.Ltmp1:
0xf5: {  	s13 =	sadd.s32 s6, s18;
	s21 =	sadd.s32 $0x80, s1;
	v62 =	vadd.f32 v43, v60;
	v63 =	vmul.f32 v58, v14;
	v32 =	vadd.f32 v37, v32;
	(pc) =	sbr.rel @p0 .LBB2_2-.Ltmp1, $4  }
0xf6: {  	s1 =	sand.u32 $0x380, s1;
	s7 =	sadd.s32 s7, s14;
	s4 =	sand.u32 $0x1000, s4;
	v33 =	vadd.f32 v61, v33  }
0xf7: {  	s23 =	sand.u32 $0x380, s21;
	s4 =	sadd.s32 s4, s14;
	s1 =	sadd.s32 s1, s7;
	[tilespmem:v31+s13+$0x0 ss:$0x1] =	vst.idx.msk $0xffff, v62;
	v32 =	vadd.f32 v63, v32  }
0xf8: {  	s25 =	sadd.s32 s23, s4;
	[tilespmem:v31+s1+$0x0 ss:$0x1] =	vst.idx.msk $0xffff, v33  }
0xf9: {  	[tilespmem:v31+s25+$0x0 ss:$0x1] =	vst.idx.msk $0xffff, v32  }
0xfa: {  	v31 =	vor.u32 $0x1A00, v15  }
0xfb: {  	v32 =	vshll.u32 v31, $0x2  }
0xfc: {  	v32 =	vand.u32 $0x6FE0, v32  }
0xfd: {  	v32 =	vor.u32 v16, v32  }
0xfe: {  	v33 =	vperm.xlane v32, v4;
	_ =	sdelay $0x1  }
0xff: {  	v33 =	vadd.s32 v5, v33;
	_ =	sdelay $0x1  }
0x100: {  	v34 =	vor.u32 $0x2000, v17;
	v32 =	vperm.xlane v32, v6  }
0x101: {  	v35 =	vshll.u32 v34, $0x2  }
0x102: {  	s9 =	simm.s32 $0x0;
	s1 =	rddreg [dreg:$0x0];
	[tilespmem:$0x18000] =	vst v31;
	v44 =	vand.u32 $0x87E0, v35;
	v43 =	vadd.s32 v5, v32  }
0x103: {  	v32 =	vor.u32 v18, v44;
	[tilespmem:s9], [sflag:$0x1] =	stream.indirect_vreg.gather [hbm4b:s1+s9], $0x80, v33, vm0, $0xb8;
	[tilespmem:$0x1C680] =	vst v63  }
0x104: {  	s4 =	rddreg [dreg:$0x6];
	s6 =	simm.s32 $0x800;
	v45 =	vperm.xlane v32, v4  }
0x105: {  	[tilespmem:s6], [sflag:$0x1] =	stream.indirect_vreg.gather [hbm4b:s4+s9], $0x80, v33, vm0, $0xb8;
	[tilespmem:$0x1C680] =	vst v63  }
0x106: {  	s18 =	simm.s32 $0x1000;
	v46 =	vadd.s32 v5, v45  }
0x107: {  	[tilespmem:s18], [sflag:$0x1] =	stream.indirect_vreg.gather [hbm4b:s1+s9], $0x80, v43, vm0, $0xb8;
	[tilespmem:$0x1C680] =	vst v63  }
0x108: {  	v47 =	vor.u32 $0x2600, v19;
	s21 =	simm.s32 $0x1800;
	v32 =	vperm.xlane v32, v6  }
0x109: {  	v48 =	vshll.u32 v47, $0x2;
	[tilespmem:s21], [sflag:$0x1] =	stream.indirect_vreg.gather [hbm4b:s4+s9], $0x80, v43, vm0, $0xb8;
	[tilespmem:$0x1C680] =	vst v63  }
0x10a: {  	v31 =	vand.u32 $0x9FE0, v48;
	v32 =	vadd.s32 v5, v32;
	[tilespmem:$0x18080] =	vst v34  }
0x10b: {  	v31 =	vor.u32 v20, v31;
	[tilespmem:s16], [sflag:$0x2] =	stream.indirect_vreg.gather [hbm4b:s1+s9], $0x80, v46, vm0, $0xb8;
	[tilespmem:$0x1C680] =	vst v63  }
0x10c: {  	s23 =	simm.s32 $0x2800;
	v49 =	vperm.xlane v31, v4  }
0x10d: {  	[tilespmem:s23], [sflag:$0x2] =	stream.indirect_vreg.gather [hbm4b:s4+s9], $0x80, v46, vm0, $0xb8;
	[tilespmem:$0x1C680] =	vst v63  }
0x10e: {  	s25 =	simm.s32 $0x3000;
	v50 =	vadd.s32 v5, v49  }
0x10f: {  	[tilespmem:s25], [sflag:$0x2] =	stream.indirect_vreg.gather [hbm4b:s1+s9], $0x80, v32, vm0, $0xb8;
	[tilespmem:$0x1C680] =	vst v63  }
0x110: {  	v51 =	vor.u32 $0x2C00, v21;
	s7 =	simm.s32 $0x3800;
	v31 =	vperm.xlane v31, v6  }
0x111: {  	v52 =	vshll.u32 v51, $0x2;
	[tilespmem:s7], [sflag:$0x2] =	stream.indirect_vreg.gather [hbm4b:s4+s9], $0x80, v32, vm0, $0xb8;
	[tilespmem:$0x1C680] =	vst v63  }
0x112: {  	v31 =	vadd.s32 v5, v31;
	v32 =	vand.u32 $0xB7E0, v52;
	[tilespmem:$0x18100] =	vst v47  }
0x113: {  	v32 =	vor.u32 v22, v32;
	[tilespmem:s20], [sflag:$0x3] =	stream.indirect_vreg.gather [hbm4b:s1+s9], $0x80, v50, vm0, $0xb8;
	[tilespmem:$0x1C680] =	vst v63  }
0x114: {  	s13 =	simm.s32 $0x4800;
	v53 =	vperm.xlane v32, v4  }
0x115: {  	[tilespmem:s13], [sflag:$0x3] =	stream.indirect_vreg.gather [hbm4b:s4+s9], $0x80, v50, vm0, $0xb8;
	[tilespmem:$0x1C680] =	vst v63  }
0x116: {  	s14 =	simm.s32 $0x5000;
	v54 =	vadd.s32 v5, v53  }
0x117: {  	[tilespmem:s14], [sflag:$0x3] =	stream.indirect_vreg.gather [hbm4b:s1+s9], $0x80, v31, vm0, $0xb8;
	[tilespmem:$0x1C680] =	vst v63  }
0x118: {  	v24 =	vor.u32 $0x400, v24;
	s18 =	simm.s32 $0x5800;
	v32 =	vperm.xlane v32, v6  }
0x119: {  	v55 =	vshll.u32 v24, $0x2;
	[tilespmem:s18], [sflag:$0x3] =	stream.indirect_vreg.gather [hbm4b:s4+s9], $0x80, v31, vm0, $0xb8;
	[tilespmem:$0x1C680] =	vst v63  }
0x11a: {  	v32 =	vadd.s32 v5, v32;
	v31 =	vand.u32 $0x17E0, v55;
	[tilespmem:$0x18180] =	vst v51  }
0x11b: {  	v23 =	vor.u32 v23, v31;
	[tilespmem:s24], [sflag:$0x4] =	stream.indirect_vreg.gather [hbm4b:s1+s9], $0x80, v54, vm0, $0xb8;
	[tilespmem:$0x1C680] =	vst v63  }
0x11c: {  	s21 =	simm.s32 $0x6800;
	v31 =	vperm.xlane v23, v4  }
0x11d: {  	[tilespmem:s21], [sflag:$0x4] =	stream.indirect_vreg.gather [hbm4b:s4+s9], $0x80, v54, vm0, $0xb8;
	[tilespmem:$0x1C680] =	vst v63  }
0x11e: {  	s23 =	simm.s32 $0x7000;
	v31 =	vadd.s32 v5, v31  }
0x11f: {  	[tilespmem:s23], [sflag:$0x4] =	stream.indirect_vreg.gather [hbm4b:s1+s9], $0x80, v32, vm0, $0xb8;
	[tilespmem:$0x1C680] =	vst v63  }
0x120: {  	v26 =	vor.u32 $0xA00, v26;
	s25 =	simm.s32 $0x7800;
	v23 =	vperm.xlane v23, v6  }
0x121: {  	v56 =	vshll.u32 v26, $0x2;
	[tilespmem:s25], [sflag:$0x4] =	stream.indirect_vreg.gather [hbm4b:s4+s9], $0x80, v32, vm0, $0xb8;
	[tilespmem:$0x1C680] =	vst v63  }
0x122: {  	v57 =	vand.u32 $0x2FE0, v56;
	v23 =	vadd.s32 v5, v23;
	[tilespmem:$0x18200] =	vst v24  }
0x123: {  	v24 =	vor.u32 v25, v57;
	[tilespmem:s29], [sflag:$0x5] =	stream.indirect_vreg.gather [hbm4b:s1+s9], $0x80, v31, vm0, $0xb8;
	[tilespmem:$0x1C680] =	vst v63  }
0x124: {  	s7 =	simm.s32 $0x8800;
	v25 =	vperm.xlane v24, v4  }
0x125: {  	[tilespmem:s7], [sflag:$0x5] =	stream.indirect_vreg.gather [hbm4b:s4+s9], $0x80, v31, vm0, $0xb8;
	[tilespmem:$0x1C680] =	vst v63  }
0x126: {  	s13 =	simm.s32 $0x9000;
	v25 =	vadd.s32 v5, v25  }
0x127: {  	[tilespmem:s13], [sflag:$0x5] =	stream.indirect_vreg.gather [hbm4b:s1+s9], $0x80, v23, vm0, $0xb8;
	[tilespmem:$0x1C680] =	vst v63  }
0x128: {  	v27 =	vor.u32 $0x1000, v27;
	s14 =	simm.s32 $0x9800;
	v24 =	vperm.xlane v24, v6  }
0x129: {  	[tilespmem:s14], [sflag:$0x5] =	stream.indirect_vreg.gather [hbm4b:s4+s9], $0x80, v23, vm0, $0xb8;
	v23 =	vshll.u32 v27, $0x2;
	[tilespmem:$0x1C680] =	vst v63  }
0x12a: {  	v24 =	vadd.s32 v5, v24;
	[tilespmem:$0x18280] =	vst v26;
	v23 =	vand.u32 $0x47E0, v23  }
0x12b: {  	[tilespmem:s2], [sflag:$0x6] =	stream.indirect_vreg.gather [hbm4b:s1+s9], $0x80, v25, vm0, $0xb8;
	v23 =	vor.u32 v28, v23;
	[tilespmem:$0x1C680] =	vst v63  }
0x12c: {  	s18 =	simm.s32 $0xA800;
	v58 =	vperm.xlane v23, v4  }
0x12d: {  	[tilespmem:s18], [sflag:$0x6] =	stream.indirect_vreg.gather [hbm4b:s4+s9], $0x80, v25, vm0, $0xb8;
	[tilespmem:$0x1C680] =	vst v63  }
0x12e: {  	s21 =	simm.s32 $0xB000;
	v59 =	vadd.s32 v5, v58  }
0x12f: {  	[tilespmem:s21], [sflag:$0x6] =	stream.indirect_vreg.gather [hbm4b:s1+s9], $0x80, v24, vm0, $0xb8;
	[tilespmem:$0x1C680] =	vst v63  }
0x130: {  	v60 =	vor.u32 $0x1600, v29;
	s23 =	simm.s32 $0xB800;
	v23 =	vperm.xlane v23, v6  }
0x131: {  	v61 =	vshll.u32 v60, $0x2;
	[tilespmem:s23], [sflag:$0x6] =	stream.indirect_vreg.gather [hbm4b:s4+s9], $0x80, v24, vm0, $0xb8;
	[tilespmem:$0x1C680] =	vst v63  }
0x132: {  	v23 =	vadd.s32 v5, v23;
	v24 =	vand.u32 $0x5FE0, v61;
	[tilespmem:$0x18300] =	vst v27  }
0x133: {  	v24 =	vor.u32 v30, v24;
	[tilespmem:s17], [sflag:$0x7] =	stream.indirect_vreg.gather [hbm4b:s1+s9], $0x80, v59, vm0, $0xb8;
	[tilespmem:$0x1C680] =	vst v63  }
0x134: {  	s25 =	simm.s32 $0xC800;
	v62 =	vperm.xlane v24, v4  }
0x135: {  	[tilespmem:s25], [sflag:$0x7] =	stream.indirect_vreg.gather [hbm4b:s4+s9], $0x80, v59, vm0, $0xb8;
	[tilespmem:$0x1C680] =	vst v63  }
0x136: {  	s7 =	simm.s32 $0xD000;
	v63 =	vadd.s32 v5, v62  }
0x137: {  	[tilespmem:s7], [sflag:$0x7] =	stream.indirect_vreg.gather [hbm4b:s1+s9], $0x80, v23, vm0, $0xb8;
	[tilespmem:$0x1C680] =	vst v63  }
0x138: {  	s13 =	simm.s32 $0xD800;
	v24 =	vperm.xlane v24, v6  }
0x139: {  	[tilespmem:s13], [sflag:$0x7] =	stream.indirect_vreg.gather [hbm4b:s4+s9], $0x80, v23, vm0, $0xb8;
	[tilespmem:$0x1C680] =	vst v63  }
0x13a: {  	v23 =	vadd.s32 v5, v24;
	[tilespmem:$0x18380] =	vst v60  }
0x13b: {  	[tilespmem:s22], [sflag:$0x8] =	stream.indirect_vreg.gather [hbm4b:s1+s9], $0x80, v63, vm0, $0xb8;
	[tilespmem:$0x1C680] =	vst v63  }
0x13c: {  	s14 =	simm.s32 $0xE800  }
0x13d: {  	[tilespmem:s14], [sflag:$0x8] =	stream.indirect_vreg.gather [hbm4b:s4+s9], $0x80, v63, vm0, $0xb8;
	[tilespmem:$0x1C680] =	vst v63  }
0x13e: {  	s18 =	simm.s32 $0xF000  }
0x13f: {  	[tilespmem:s18], [sflag:$0x8] =	stream.indirect_vreg.gather [hbm4b:s1+s9], $0x80, v23, vm0, $0xb8;
	[tilespmem:$0x1C680] =	vst v63  }
0x140: {  	s21 =	simm.s32 $0xF800  }
0x141: {  	[tilespmem:s21], [sflag:$0x8] =	stream.indirect_vreg.gather [hbm4b:s4+s9], $0x80, v23, vm0, $0xb8;
	[tilespmem:$0x1C680] =	vst v63  }
0x142: {  	s6 =	simm.s32 $0x9;
	s23 =	rddreg [dreg:$0x7];
	s25 =	simm.s32 $0x18600  }
0x143: {  	[hbm4b:s23+s9] =	stream.linear.scatter [tilespmem:s25], [sflag:$0xD], $0x2000, $0x38;
	[tilespmem:$0x1C680] =	vst v63  }
0x144: {  	_ =	swait.ge [sflag:s6], $0x2000  }
0x145: {  	[sflag:s6] =	ssyncset.done $0x0  }
0x146: {  	s7 =	simm.s32 $0xA;
	[sflag:s6] =	ssyncadd.s32 $0xFFFFE000  }
0x147: {  	_ =	swait.ge [sflag:s7], $0x2000  }
0x148: {  	[sflag:s7] =	ssyncset.done $0x0  }
0x149: {  	s13 =	simm.s32 $0xB;
	[sflag:s7] =	ssyncadd.s32 $0xFFFFE000  }
0x14a: {  	_ =	swait.ge [sflag:s13], $0x2000  }
0x14b: {  	[sflag:s13] =	ssyncset.done $0x0  }
0x14c: {  	s14 =	simm.s32 $0xC;
	[sflag:s13] =	ssyncadd.s32 $0xFFFFE000  }
0x14d: {  	_ =	swait.ge [sflag:s14], $0x2000  }
0x14e: {  	[sflag:s14] =	ssyncset.done $0x0  }
0x14f: {  	s18 =	simm.s32 $0x1;
	[sflag:s14] =	ssyncadd.s32 $0xFFFFE000  }
0x150: {  	_ =	swait.ge [sflag:s18], $0x2000  }
0x151: {  	[sflag:s18] =	ssyncset.done $0x0  }
0x152: {  	s21 =	simm.s32 $0x2;
	[sflag:s18] =	ssyncadd.s32 $0xFFFFE000  }
0x153: {  	_ =	swait.ge [sflag:s21], $0x2000  }
0x154: {  	[sflag:s21] =	ssyncset.done $0x0  }
0x155: {  	s23 =	simm.s32 $0x3;
	[sflag:s21] =	ssyncadd.s32 $0xFFFFE000  }
0x156: {  	_ =	swait.ge [sflag:s23], $0x2000  }
0x157: {  	[sflag:s23] =	ssyncset.done $0x0  }
0x158: {  	s25 =	simm.s32 $0x4;
	[sflag:s23] =	ssyncadd.s32 $0xFFFFE000  }
0x159: {  	_ =	swait.ge [sflag:s25], $0x2000  }
0x15a: {  	[sflag:s25] =	ssyncset.done $0x0  }
0x15b: {  	s13 =	simm.s32 $0x0;
	[sflag:s25] =	ssyncadd.s32 $0xFFFFE000  }
.LBB2_6:
0x15c: {  	s14 =	sshll.u32 s13, $0x4  }
0x15d: {  	s1 =	sadd.s32 s11, s14;
	s18 =	sadd.s32 s12, s14  }
0x15e: {  	v34 =	vmov s9;
	s21 =	sadd.s32 s15, s14;
	s4 =	sadd.s32 s30, s14;
	v23 =	vadd.s32 s1, v2;
	v24 =	vadd.s32 s18, v2  }
0x15f: {  	v25 =	vadd.s32 s21, v2;
	v28 =	vadd.s32 s4, v2;
	s18 =	simm.s32 $0x1;
	s21 =	simm.s32 $0x2;
	vm2 =	vgt.s32 v23, $0x0  }
0x160: {  	v41 =	vmov s18;
	v57 =	vmov s21;
	v23 =	vnsel vm2, $0x0, v23  }
0x161: {  	vm2 =	vgt.s32 v24, $0x0;
	v42 =	vshll.u32 v41, $0x9;
	v51 =	vshll.u32 v41, $0x7  }
0x162: {  	s23 =	sadd.s32 s5, s14;
	v58 =	vshll.u32 v57, $0x9;
	v24 =	vnsel vm2, $0x0, v24;
	vm2 =	vgt.s32 v25, $0x0  }
0x163: {  	s25 =	sadd.s32 s28, s14;
	v26 =	vmin.u32 v24, $0x1FF;
	v24 =	vnsel vm2, $0x0, v25;
	v25 =	vadd.s32 s23, v2  }
0x164: {  	v27 =	vmin.u32 v24, $0x1FF;
	vm2 =	vgt.s32 v25, $0x0;
	v24 =	vadd.s32 s25, v2  }
0x165: {  	v23 =	vmin.u32 v23, $0x1FF;
	v25 =	vnsel vm2, $0x0, v25;
	vm2 =	vgt.s32 v24, $0x0  }
0x166: {  	s6 =	sadd.s32 s31, s14;
	v29 =	vmin.u32 v25, $0x1FF;
	v24 =	vnsel vm2, $0x0, v24;
	vm2 =	vgt.s32 v28, $0x0  }
0x167: {  	v25 =	vadd.s32 s6, v2;
	v30 =	vmin.u32 v24, $0x1FF;
	v24 =	vnsel vm2, $0x0, v28  }
0x168: {  	s7 =	sadd.s32 s8, s14;
	vm2 =	vgt.s32 v25, $0x0;
	v28 =	vshll.u32 v23, $0x3;
	v23 =	vand.u32 $0x7F, v23  }
0x169: {  	v31 =	vmin.u32 v24, $0x1FF;
	v24 =	vadd.s32 s7, v2;
	v25 =	vnsel vm2, $0x0, v25  }
0x16a: {  	vm2 =	vgt.s32 v24, $0x0;
	v32 =	vmin.u32 v25, $0x1FF;
	v25 =	vshll.u32 v26, $0x3  }
0x16b: {  	v28 =	vand.u32 $0xC00, v28;
	v24 =	vnsel vm2, $0x0, v24;
	v25 =	vand.u32 $0xC00, v25  }
0x16c: {  	v33 =	vmin.u32 v24, $0x1FF;
	v24 =	vor.u32 v28, v23;
	v23 =	vand.u32 $0x7F, v26  }
0x16d: {  	v26 =	vshll.u32 v27, $0x3;
	v27 =	vand.u32 $0x7F, v27;
	v28 =	vshll.u32 v30, $0x3  }
0x16e: {  	v26 =	vand.u32 $0xC00, v26;
	v25 =	vor.u32 v25, v23;
	v23 =	vshll.u32 v29, $0x3  }
0x16f: {  	v26 =	vor.u32 v26, v27;
	v27 =	vand.u32 $0x7F, v29;
	v23 =	vand.u32 $0xC00, v23  }
0x170: {  	v29 =	vand.u32 $0x7F, v30;
	v30 =	vand.u32 $0xC00, v28;
	v28 =	vor.u32 v23, v27  }
0x171: {  	v27 =	vor.u32 v30, v29;
	v23 =	vshll.u32 v34, $0x9;
	v29 =	vand.u32 $0x7F, v31  }
0x172: {  	v30 =	vshll.u32 v34, $0x7;
	v45 =	vand.u32 $0x1000, v23;
	v23 =	vshll.u32 v31, $0x3  }
0x173: {  	v35 =	vand.u32 $0x380, v30;
	v30 =	vor.u32 v24, v45;
	v23 =	vand.u32 $0xC00, v23  }
0x174: {  	v31 =	vor.u32 v25, v45;
	v46 =	vor.u32 v27, v45;
	v36 =	vor.u32 v35, v30  }
0x175: {  	v30 =	vshll.u32 v32, $0x3;
	v37 =	vor.u32 v35, v31;
	v31 =	vor.u32 v26, v45  }
0x176: {  	v32 =	vand.u32 $0x7F, v32;
	v38 =	vand.u32 $0xC00, v30;
	v39 =	vor.u32 v35, v31  }
0x177: {  	v30 =	vor.u32 v23, v29;
	v23 =	vor.u32 v28, v45;
	v31 =	vshll.u32 v33, $0x3  }
0x178: {  	v29 =	vor.u32 v38, v32;
	v47 =	vor.u32 v35, v23;
	v23 =	vand.u32 $0x7F, v33  }
0x179: {  	v31 =	vand.u32 $0xC00, v31;
	v32 =	vor.u32 v35, v46;
	v40 =	vor.u32 v30, v45  }
0x17a: {  	v31 =	vor.u32 v31, v23;
	v50 =	vor.u32 v29, v45;
	v40 =	vor.u32 v35, v40;
	v48 =	vld.idx.msk [tilespmem:v36+s26+$0x0], $0xffff  }
0x17b: {  	v52 =	vand.u32 $0x1000, v42;
	v34 =	vor.u32 v31, v45;
	v49 =	vld.idx.msk [tilespmem:v37+s0+$0x0], $0xffff;
	v37 =	vor.u32 v35, v50  }
0x17c: {  	v42 =	vor.u32 v24, v52;
	v34 =	vor.u32 v35, v34;
	v35 =	vand.u32 $0x380, v51;
	v39 =	vld.idx.msk [tilespmem:v39+s10+$0x0], $0xffff  }
0x17d: {  	v59 =	vshll.u32 v57, $0x7;
	v44 =	vor.u32 v26, v52;
	v42 =	vor.u32 v35, v42;
	v38 =	vld.idx.msk [tilespmem:v47+s19+$0x0], $0xffff  }
0x17e: {  	s14 =	sand.u32 $0x70, s14;
	v43 =	vor.u32 v25, v52;
	v46 =	vor.u32 v27, v52;
	v44 =	vor.u32 v35, v44;
	v32 =	vld.idx.msk [tilespmem:v32+s3+$0x0], $0xffff  }
0x17f: {  	v53 =	vor.u32 v30, v52;
	v23 =	vmov s14;
	v45 =	vor.u32 v28, v52;
	v40 =	vld.idx.msk [tilespmem:v40+s16+$0x0], $0xffff  }
0x180: {  	v43 =	vor.u32 v35, v43;
	v33 =	vmul.f32 v48, v7;
	v37 =	vld.idx.msk [tilespmem:v37+s20+$0x0], $0xffff;
	v36 =	vmul.f32 v49, v8  }
0x181: {  	v54 =	vor.u32 v29, v52;
	v55 =	vor.u32 v31, v52;
	v45 =	vor.u32 v35, v45;
	v34 =	vld.idx.msk [tilespmem:v34+s24+$0x0], $0xffff  }
0x182: {  	v46 =	vor.u32 v35, v46;
	v39 =	vmul.f32 v39, v9;
	v49 =	vld.idx.msk [tilespmem:v42+s26+$0x0], $0xffff;
	v33 =	vadd.f32 v36, v33  }
0x183: {  	v50 =	vor.u32 v35, v54;
	v51 =	vor.u32 v35, v55;
	v48 =	vor.u32 v35, v53;
	v56 =	vld.idx.msk [tilespmem:v44+s10+$0x0], $0xffff  }
0x184: {  	v38 =	vmul.f32 v38, v10;
	v47 =	vmul.f32 v32, v11;
	v33 =	vadd.f32 v39, v33  }
0x185: {  	v52 =	vld.idx.msk [tilespmem:v43+s0+$0x0], $0xffff;
	v36 =	vand.u32 $0x380, v59;
	v60 =	vmul.f32 v40, v12;
	v32 =	vmul.f32 v37, v13  }
0x186: {  	v40 =	vld.idx.msk [tilespmem:v45+s19+$0x0], $0xffff;
	v37 =	vand.u32 $0x1000, v58;
	v35 =	vmul.f32 v34, v14;
	v33 =	vadd.f32 v38, v33  }
0x187: {  	s23 =	sshll.u32 s13, $0x7;
	v39 =	vld.idx.msk [tilespmem:v46+s3+$0x0], $0xffff;
	v61 =	vor.u32 v24, v37;
	v62 =	vor.u32 v25, v37;
	v44 =	vmul.f32 v49, v7  }
0x188: {  	s4 =	simm.s32 $0x3;
	s1 =	sand.u32 $0xC00, s23;
	v34 =	vld.idx.msk [tilespmem:v48+s16+$0x0], $0xffff;
	v63 =	vor.u32 v26, v37;
	v41 =	vmul.f32 v56, v9;
	v33 =	vadd.f32 v47, v33  }
0x189: {  	s21 =	simm.s32 $0x0;
	s25 =	sand.u32 $0x1000, s9;
	s14 =	sadd.s32 $0x1A600, s1;
	v38 =	vld.idx.msk [tilespmem:v50+s20+$0x0], $0xffff;
	v48 =	vor.u32 v28, v37;
	v45 =	vor.u32 v36, v61;
	v42 =	vor.u32 v36, v62  }
0x18a: {  	s23 =	simm.s32 $0x0;
	s18 =	sadd.s32 s25, s14;
	s25 =	simm.s32 $0x0;
	v46 =	vor.u32 v36, v63;
	v47 =	vmul.f32 v52, v8;
	v43 =	vadd.f32 v60, v33;
	v33 =	vld.idx.msk [tilespmem:v51+s24+$0x0], $0xffff  }
.LBB2_7:
0x18b: {  	s23 =	sadd.s32 $0x80, s23  }
0x18c: {  	v49 =	vor.u32 v27, v37;
	v40 =	vmul.f32 v40, v10;
	v32 =	vadd.f32 v32, v43;
	s25 =	sadd.s32 $0x200, s25;
	s1 =	smov.u32 s4;
	s7 =	sadd.s32 $0x1, s4  }
0x18d: {  	p0 =	sne.s32 s4, $0xF;
	v43 =	vor.u32 v36, v48;
	v48 =	vor.u32 v36, v49;
	v44 =	vadd.f32 v47, v44;
	s4 =	sand.u32 $0x1000, s25  }
0x18e: {  	s6 =	sand.u32 $0x380, s21;
	v49 =	vmul.f32 v39, v11;
	s21 =	smov.u32 s23;
	v47 =	vld.idx.msk [tilespmem:v45+s26+$0x0], $0xffff;
	v45 =	vor.u32 v30, v37;
	s4 =	sadd.s32 s4, s14;
	v35 =	vadd.f32 v35, v32  }
0x18f: {  	s6 =	sadd.s32 s6, s18;
	v32 =	vor.u32 v29, v37;
	v50 =	vld.idx.msk [tilespmem:v42+s0+$0x0], $0xffff;
	v42 =	vor.u32 v36, v45;
	v39 =	vadd.f32 v41, v44;
	s18 =	smov.u32 s4  }
0x190: {  	v37 =	vor.u32 v31, v37;
	v41 =	vld.idx.msk [tilespmem:v46+s10+$0x0], $0xffff;
	v46 =	vor.u32 v36, v32;
	v32 =	vmul.f32 v38, v13  }
0x191: {  	v51 =	vor.u32 v36, v37;
	v38 =	vmov s1;
	v44 =	vadd.f32 v40, v39;
	[tilespmem:v23+s6+$0x0 ss:$0x1] =	vst.idx.msk $0xffff, v35  }
0x192: {  	v35 =	vshll.u32 v38, $0x9;
	v36 =	vshll.u32 v38, $0x7;
	v40 =	vld.idx.msk [tilespmem:v43+s19+$0x0], $0xffff;
	v43 =	vmul.f32 v34, v12  }
.Ltmp2:
0x193: {  	v37 =	vand.u32 $0x1000, v35;
	v36 =	vand.u32 $0x380, v36;
	v39 =	vld.idx.msk [tilespmem:v48+s3+$0x0], $0xffff;
	v48 =	vadd.f32 v49, v44;
	(pc) =	sbr.rel @p0 .LBB2_7-.Ltmp2, $4  }
0x194: {  	v35 =	vmul.f32 v33, v14;
	v38 =	vor.u32 v24, v37;
	v44 =	vor.u32 v25, v37;
	v34 =	vld.idx.msk [tilespmem:v42+s16+$0x0], $0xffff  }
0x195: {  	v45 =	vor.u32 v36, v38;
	v42 =	vor.u32 v36, v44;
	v44 =	vmul.f32 v47, v7;
	v38 =	vld.idx.msk [tilespmem:v46+s20+$0x0], $0xffff  }
0x196: {  	v46 =	vor.u32 v26, v37;
	v41 =	vmul.f32 v41, v9;
	v43 =	vadd.f32 v43, v48;
	v33 =	vld.idx.msk [tilespmem:v51+s24+$0x0], $0xffff  }
0x197: {  	s4 =	smov.u32 s7;
	v47 =	vmul.f32 v50, v8;
	v48 =	vor.u32 v28, v37;
	v46 =	vor.u32 v36, v46  }
0x198: {  	_ =	sdelay $0x3  }
0x199: {  	v24 =	vor.u32 v36, v48;
	v25 =	vld.idx.msk [tilespmem:v45+s26+$0x0], $0xffff  }
0x19a: {  	v26 =	vor.u32 v27, v37;
	v51 =	vld.idx.msk [tilespmem:v42+s0+$0x0], $0xffff  }
0x19b: {  	v26 =	vor.u32 v36, v26  }
0x19c: {  	v28 =	vor.u32 v30, v37;
	v52 =	vld.idx.msk [tilespmem:v46+s10+$0x0], $0xffff  }
0x19d: {  	v28 =	vor.u32 v36, v28  }
0x19e: {  	v29 =	vor.u32 v29, v37;
	v24 =	vld.idx.msk [tilespmem:v24+s19+$0x0], $0xffff  }
0x19f: {  	v29 =	vor.u32 v36, v29;
	v25 =	vmul.f32 v25, v7;
	v27 =	vmul.f32 v51, v8  }
0x1a0: {  	v31 =	vor.u32 v31, v37;
	v53 =	vadd.f32 v47, v44;
	v26 =	vld.idx.msk [tilespmem:v26+s3+$0x0], $0xffff  }
0x1a1: {  	v31 =	vor.u32 v36, v31;
	v30 =	vmul.f32 v52, v9;
	v25 =	vadd.f32 v27, v25  }
0x1a2: {  	v54 =	vmul.f32 v40, v10;
	v55 =	vadd.f32 v41, v53;
	v28 =	vld.idx.msk [tilespmem:v28+s16+$0x0], $0xffff  }
0x1a3: {  	v25 =	vadd.f32 v30, v25;
	v24 =	vmul.f32 v24, v10  }
0x1a4: {  	v56 =	vmul.f32 v39, v11;
	v29 =	vld.idx.msk [tilespmem:v29+s20+$0x0], $0xffff;
	v27 =	vadd.f32 v54, v55  }
0x1a5: {  	v26 =	vmul.f32 v26, v11;
	v24 =	vadd.f32 v24, v25  }
0x1a6: {  	v57 =	vmul.f32 v34, v12;
	v58 =	vld.idx.msk [tilespmem:v31+s24+$0x0], $0xffff;
	v27 =	vadd.f32 v56, v27  }
0x1a7: {  	v28 =	vmul.f32 v28, v12;
	v24 =	vadd.f32 v26, v24  }
0x1a8: {  	s1 =	sadd.s32 $0x80, s23;
	v59 =	vmul.f32 v38, v13;
	v25 =	vadd.f32 v57, v27  }
0x1a9: {  	v60 =	vadd.f32 v32, v43;
	s4 =	sadd.s32 $0x200, s25;
	s7 =	sand.u32 $0x380, s21;
	s13 =	sadd.s32 $0x1, s13;
	v29 =	vmul.f32 v29, v13;
	v24 =	vadd.f32 v28, v24  }
0x1aa: {  	s6 =	sand.u32 $0x1000, s4;
	s4 =	sadd.s32 $0x200, s4;
	p0 =	sne.s32 s13, $0x20;
	v61 =	vmul.f32 v33, v14;
	v25 =	vadd.f32 v59, v25  }
.Ltmp3:
0x1ab: {  	s7 =	sadd.s32 s7, s18;
	s21 =	sadd.s32 $0x80, s1;
	v62 =	vadd.f32 v35, v60;
	v63 =	vmul.f32 v58, v14;
	v24 =	vadd.f32 v29, v24;
	(pc) =	sbr.rel @p0 .LBB2_6-.Ltmp3, $4  }
0x1ac: {  	s1 =	sand.u32 $0x380, s1;
	s6 =	sadd.s32 s6, s14;
	s4 =	sand.u32 $0x1000, s4;
	v25 =	vadd.f32 v61, v25  }
0x1ad: {  	s23 =	sand.u32 $0x380, s21;
	s4 =	sadd.s32 s4, s14;
	s1 =	sadd.s32 s1, s6;
	[tilespmem:v23+s7+$0x0 ss:$0x1] =	vst.idx.msk $0xffff, v62;
	v24 =	vadd.f32 v63, v24  }
0x1ae: {  	s25 =	sadd.s32 s23, s4;
	[tilespmem:v23+s1+$0x0 ss:$0x1] =	vst.idx.msk $0xffff, v25  }
0x1af: {  	[tilespmem:v23+s25+$0x0 ss:$0x1] =	vst.idx.msk $0xffff, v24  }
0x1b0: {  	v15 =	vor.u32 $0x1C00, v15  }
0x1b1: {  	v23 =	vshll.u32 v15, $0x2  }
0x1b2: {  	v23 =	vand.u32 $0x77E0, v23  }
0x1b3: {  	v16 =	vor.u32 v16, v23  }
0x1b4: {  	v23 =	vperm.xlane v16, v4;
	_ =	sdelay $0x1  }
0x1b5: {  	v23 =	vadd.s32 v5, v23;
	_ =	sdelay $0x1  }
0x1b6: {  	v17 =	vor.u32 $0x2200, v17;
	v16 =	vperm.xlane v16, v6  }
0x1b7: {  	v24 =	vshll.u32 v17, $0x2  }
0x1b8: {  	s9 =	simm.s32 $0x0;
	s1 =	rddreg [dreg:$0x0];
	[tilespmem:$0x18400] =	vst v15;
	v58 =	vand.u32 $0x8FE0, v24;
	v15 =	vadd.s32 v5, v16  }
0x1b9: {  	v16 =	vor.u32 v18, v58;
	[tilespmem:s26], [sflag:$0x9] =	stream.indirect_vreg.gather [hbm4b:s1+s9], $0x80, v23, vm0, $0xb8;
	[tilespmem:$0x1C680] =	vst v63  }
0x1ba: {  	s4 =	rddreg [dreg:$0x6];
	s6 =	simm.s32 $0x10800;
	v18 =	vperm.xlane v16, v4  }
0x1bb: {  	[tilespmem:s6], [sflag:$0x9] =	stream.indirect_vreg.gather [hbm4b:s4+s9], $0x80, v23, vm0, $0xb8;
	[tilespmem:$0x1C680] =	vst v63  }
0x1bc: {  	s13 =	simm.s32 $0x11000;
	v18 =	vadd.s32 v5, v18  }
0x1bd: {  	[tilespmem:s13], [sflag:$0x9] =	stream.indirect_vreg.gather [hbm4b:s1+s9], $0x80, v15, vm0, $0xb8;
	[tilespmem:$0x1C680] =	vst v63  }
0x1be: {  	v19 =	vor.u32 $0x2800, v19;
	s14 =	simm.s32 $0x11800;
	v16 =	vperm.xlane v16, v6  }
0x1bf: {  	[tilespmem:s14], [sflag:$0x9] =	stream.indirect_vreg.gather [hbm4b:s4+s9], $0x80, v15, vm0, $0xb8;
	v15 =	vshll.u32 v19, $0x2;
	[tilespmem:$0x1C680] =	vst v63  }
0x1c0: {  	v16 =	vadd.s32 v5, v16;
	[tilespmem:$0x18480] =	vst v17;
	v15 =	vand.u32 $0xA7E0, v15  }
0x1c1: {  	[tilespmem:s0], [sflag:$0xA] =	stream.indirect_vreg.gather [hbm4b:s1+s9], $0x80, v18, vm0, $0xb8;
	v15 =	vor.u32 v20, v15;
	[tilespmem:$0x1C680] =	vst v63  }
0x1c2: {  	s18 =	simm.s32 $0x12800;
	v59 =	vperm.xlane v15, v4  }
0x1c3: {  	[tilespmem:s18], [sflag:$0xA] =	stream.indirect_vreg.gather [hbm4b:s4+s9], $0x80, v18, vm0, $0xb8;
	[tilespmem:$0x1C680] =	vst v63  }
0x1c4: {  	s21 =	simm.s32 $0x13000;
	v17 =	vadd.s32 v5, v59  }
0x1c5: {  	[tilespmem:s21], [sflag:$0xA] =	stream.indirect_vreg.gather [hbm4b:s1+s9], $0x80, v16, vm0, $0xb8;
	[tilespmem:$0x1C680] =	vst v63  }
0x1c6: {  	v60 =	vor.u32 $0x2E00, v21;
	s23 =	simm.s32 $0x13800;
	v15 =	vperm.xlane v15, v6  }
0x1c7: {  	v61 =	vshll.u32 v60, $0x2;
	[tilespmem:s23], [sflag:$0xA] =	stream.indirect_vreg.gather [hbm4b:s4+s9], $0x80, v16, vm0, $0xb8;
	[tilespmem:$0x1C680] =	vst v63  }
0x1c8: {  	v15 =	vadd.s32 v5, v15;
	v16 =	vand.u32 $0xBFE0, v61;
	[tilespmem:$0x18500] =	vst v19  }
0x1c9: {  	v16 =	vor.u32 v22, v16;
	[tilespmem:s10], [sflag:$0xB] =	stream.indirect_vreg.gather [hbm4b:s1+s9], $0x80, v17, vm0, $0xb8;
	[tilespmem:$0x1C680] =	vst v63  }
0x1ca: {  	s25 =	simm.s32 $0x14800;
	v62 =	vperm.xlane v16, v4  }
0x1cb: {  	[tilespmem:s25], [sflag:$0xB] =	stream.indirect_vreg.gather [hbm4b:s4+s9], $0x80, v17, vm0, $0xb8;
	[tilespmem:$0x1C680] =	vst v63  }
0x1cc: {  	s7 =	simm.s32 $0x15000;
	v63 =	vadd.s32 v5, v62  }
0x1cd: {  	[tilespmem:s7], [sflag:$0xB] =	stream.indirect_vreg.gather [hbm4b:s1+s9], $0x80, v15, vm0, $0xb8;
	[tilespmem:$0x1C680] =	vst v63  }
0x1ce: {  	s13 =	simm.s32 $0x15800;
	v16 =	vperm.xlane v16, v6  }
0x1cf: {  	[tilespmem:s13], [sflag:$0xB] =	stream.indirect_vreg.gather [hbm4b:s4+s9], $0x80, v15, vm0, $0xb8;
	[tilespmem:$0x1C680] =	vst v63  }
0x1d0: {  	v15 =	vadd.s32 v5, v16;
	[tilespmem:$0x18580] =	vst v60  }
0x1d1: {  	[tilespmem:s19], [sflag:$0xC] =	stream.indirect_vreg.gather [hbm4b:s1+s9], $0x80, v63, vm0, $0xb8;
	[tilespmem:$0x1C680] =	vst v63  }
0x1d2: {  	s14 =	simm.s32 $0x16800  }
0x1d3: {  	[tilespmem:s14], [sflag:$0xC] =	stream.indirect_vreg.gather [hbm4b:s4+s9], $0x80, v63, vm0, $0xb8;
	[tilespmem:$0x1C680] =	vst v63  }
0x1d4: {  	s18 =	simm.s32 $0x17000  }
0x1d5: {  	[tilespmem:s18], [sflag:$0xC] =	stream.indirect_vreg.gather [hbm4b:s1+s9], $0x80, v15, vm0, $0xb8;
	[tilespmem:$0x1C680] =	vst v63  }
0x1d6: {  	s21 =	simm.s32 $0x17800  }
0x1d7: {  	[tilespmem:s21], [sflag:$0xC] =	stream.indirect_vreg.gather [hbm4b:s4+s9], $0x80, v15, vm0, $0xb8;
	[tilespmem:$0x1C680] =	vst v63  }
0x1d8: {  	s23 =	rddreg [dreg:$0x8];
	s25 =	simm.s32 $0x1A600;
	s4 =	simm.s32 $0x5  }
0x1d9: {  	[hbm4b:s23+s9] =	stream.linear.scatter [tilespmem:s25], [sflag:$0xE], $0x2000, $0x38;
	[tilespmem:$0x1C680] =	vst v63  }
0x1da: {  	_ =	swait.ge [sflag:s4], $0x2000  }
0x1db: {  	[sflag:s4] =	ssyncset.done $0x0  }
0x1dc: {  	s6 =	simm.s32 $0x6;
	[sflag:s4] =	ssyncadd.s32 $0xFFFFE000  }
0x1dd: {  	_ =	swait.ge [sflag:s6], $0x2000  }
0x1de: {  	[sflag:s6] =	ssyncset.done $0x0  }
0x1df: {  	s7 =	simm.s32 $0x7;
	[sflag:s6] =	ssyncadd.s32 $0xFFFFE000  }
0x1e0: {  	_ =	swait.ge [sflag:s7], $0x2000  }
0x1e1: {  	[sflag:s7] =	ssyncset.done $0x0  }
0x1e2: {  	s13 =	simm.s32 $0x8;
	[sflag:s7] =	ssyncadd.s32 $0xFFFFE000  }
0x1e3: {  	_ =	swait.ge [sflag:s13], $0x2000  }
0x1e4: {  	[sflag:s13] =	ssyncset.done $0x0  }
0x1e5: {  	s14 =	simm.s32 $0x9;
	[sflag:s13] =	ssyncadd.s32 $0xFFFFE000  }
0x1e6: {  	_ =	swait.ge [sflag:s14], $0x2000  }
0x1e7: {  	[sflag:s14] =	ssyncset.done $0x0  }
0x1e8: {  	s18 =	simm.s32 $0xA;
	[sflag:s14] =	ssyncadd.s32 $0xFFFFE000  }
0x1e9: {  	_ =	swait.ge [sflag:s18], $0x2000  }
0x1ea: {  	[sflag:s18] =	ssyncset.done $0x0  }
0x1eb: {  	s21 =	simm.s32 $0xB;
	[sflag:s18] =	ssyncadd.s32 $0xFFFFE000  }
0x1ec: {  	_ =	swait.ge [sflag:s21], $0x2000  }
0x1ed: {  	[sflag:s21] =	ssyncset.done $0x0  }
0x1ee: {  	s23 =	simm.s32 $0xC;
	[sflag:s21] =	ssyncadd.s32 $0xFFFFE000  }
0x1ef: {  	_ =	swait.ge [sflag:s23], $0x2000  }
0x1f0: {  	[sflag:s23] =	ssyncset.done $0x0  }
0x1f1: {  	s25 =	simm.s32 $0xD;
	[sflag:s23] =	ssyncadd.s32 $0xFFFFE000  }
0x1f2: {  	_ =	swait.ge [sflag:s25], $0x2000  }
0x1f3: {  	[sflag:s25] =	ssyncset.done $0x0  }
0x1f4: {  	s13 =	simm.s32 $0x0;
	[sflag:s25] =	ssyncadd.s32 $0xFFFFE000  }
.LBB2_10:
0x1f5: {  	s14 =	sshll.u32 s13, $0x4  }
0x1f6: {  	s1 =	sadd.s32 s11, s14  }
0x1f7: {  	v26 =	vmov s9;
	s18 =	sadd.s32 s12, s14;
	s21 =	sadd.s32 s15, s14;
	v15 =	vadd.s32 s1, v2  }
0x1f8: {  	s4 =	sadd.s32 s30, s14;
	v16 =	vadd.s32 s18, v2;
	v17 =	vadd.s32 s21, v2;
	vm2 =	vgt.s32 v15, $0x0  }
0x1f9: {  	v20 =	vadd.s32 s4, v2;
	s18 =	simm.s32 $0x1;
	v15 =	vnsel vm2, $0x0, v15;
	vm2 =	vgt.s32 v16, $0x0  }
0x1fa: {  	s23 =	sadd.s32 s5, s14;
	v33 =	vmov s18;
	v16 =	vnsel vm2, $0x0, v16;
	vm2 =	vgt.s32 v17, $0x0  }
0x1fb: {  	s25 =	sadd.s32 s28, s14;
	v18 =	vmin.u32 v16, $0x1FF;
	v16 =	vnsel vm2, $0x0, v17;
	v17 =	vadd.s32 s23, v2  }
0x1fc: {  	v19 =	vmin.u32 v16, $0x1FF;
	vm2 =	vgt.s32 v17, $0x0;
	v16 =	vadd.s32 s25, v2  }
0x1fd: {  	v34 =	vshll.u32 v33, $0x9;
	v17 =	vnsel vm2, $0x0, v17;
	vm2 =	vgt.s32 v16, $0x0  }
0x1fe: {  	s6 =	sadd.s32 s31, s14;
	v15 =	vmin.u32 v15, $0x1FF;
	v21 =	vmin.u32 v17, $0x1FF;
	v16 =	vnsel vm2, $0x0, v16  }
0x1ff: {  	vm2 =	vgt.s32 v20, $0x0;
	v17 =	vadd.s32 s6, v2;
	v22 =	vmin.u32 v16, $0x1FF  }
0x200: {  	s7 =	sadd.s32 s8, s14;
	v16 =	vnsel vm2, $0x0, v20;
	vm2 =	vgt.s32 v17, $0x0;
	v20 =	vshll.u32 v15, $0x3  }
0x201: {  	v15 =	vand.u32 $0x7F, v15;
	v23 =	vmin.u32 v16, $0x1FF;
	v16 =	vadd.s32 s7, v2  }
0x202: {  	v17 =	vnsel vm2, $0x0, v17;
	v20 =	vand.u32 $0xC00, v20;
	vm2 =	vgt.s32 v16, $0x0  }
0x203: {  	v24 =	vmin.u32 v17, $0x1FF;
	v17 =	vshll.u32 v18, $0x3;
	v16 =	vnsel vm2, $0x0, v16  }
0x204: {  	v17 =	vand.u32 $0xC00, v17;
	v25 =	vmin.u32 v16, $0x1FF;
	v16 =	vor.u32 v20, v15  }
0x205: {  	v15 =	vand.u32 $0x7F, v18;
	v18 =	vshll.u32 v19, $0x3;
	v19 =	vand.u32 $0x7F, v19  }
0x206: {  	v20 =	vshll.u32 v22, $0x3;
	v18 =	vand.u32 $0xC00, v18;
	v17 =	vor.u32 v17, v15  }
0x207: {  	v15 =	vshll.u32 v21, $0x3;
	v18 =	vor.u32 v18, v19;
	v19 =	vand.u32 $0x7F, v21  }
0x208: {  	v15 =	vand.u32 $0xC00, v15;
	v21 =	vand.u32 $0x7F, v22;
	v22 =	vand.u32 $0xC00, v20  }
0x209: {  	v20 =	vor.u32 v15, v19;
	v19 =	vor.u32 v22, v21;
	v15 =	vshll.u32 v26, $0x9  }
0x20a: {  	v21 =	vand.u32 $0x7F, v23;
	v22 =	vshll.u32 v26, $0x7;
	v26 =	vand.u32 $0x1000, v15  }
0x20b: {  	v15 =	vshll.u32 v23, $0x3;
	v27 =	vand.u32 $0x380, v22;
	v22 =	vor.u32 v16, v26  }
0x20c: {  	v15 =	vand.u32 $0xC00, v15;
	v23 =	vor.u32 v17, v26;
	v28 =	vor.u32 v27, v22  }
0x20d: {  	v22 =	vshll.u32 v24, $0x3;
	v29 =	vor.u32 v27, v23;
	v23 =	vor.u32 v18, v26  }
0x20e: {  	v24 =	vand.u32 $0x7F, v24;
	v30 =	vand.u32 $0xC00, v22;
	v31 =	vor.u32 v27, v23  }
0x20f: {  	v22 =	vor.u32 v15, v21;
	v15 =	vor.u32 v20, v26;
	v23 =	vshll.u32 v25, $0x3  }
0x210: {  	v21 =	vor.u32 v30, v24;
	v24 =	vor.u32 v19, v26;
	v30 =	vor.u32 v27, v15  }
0x211: {  	v15 =	vand.u32 $0x7F, v25;
	v23 =	vand.u32 $0xC00, v23;
	v24 =	vor.u32 v27, v24  }
0x212: {  	v59 =	vand.u32 $0x1000, v34;
	v32 =	vor.u32 v22, v26;
	v23 =	vor.u32 v23, v15;
	v25 =	vld.idx.msk [tilespmem:v28+s29+$0x0], $0xffff  }
0x213: {  	v32 =	vor.u32 v27, v32;
	v28 =	vld.idx.msk [tilespmem:v29+s2+$0x0], $0xffff;
	v29 =	vor.u32 v21, v26;
	v26 =	vor.u32 v23, v26  }
0x214: {  	v31 =	vld.idx.msk [tilespmem:v31+s17+$0x0], $0xffff;
	v29 =	vor.u32 v27, v29;
	v26 =	vor.u32 v27, v26;
	v27 =	vshll.u32 v33, $0x7  }
0x215: {  	v34 =	vor.u32 v16, v59;
	v30 =	vld.idx.msk [tilespmem:v30+s22+$0x0], $0xffff;
	v27 =	vand.u32 $0x380, v27  }
0x216: {  	v36 =	vor.u32 v18, v59;
	v24 =	vld.idx.msk [tilespmem:v24+s26+$0x0], $0xffff;
	v34 =	vor.u32 v27, v34  }
0x217: {  	s14 =	sand.u32 $0x70, s14;
	v35 =	vor.u32 v17, v59;
	v37 =	vor.u32 v20, v59;
	v36 =	vor.u32 v27, v36  }
0x218: {  	v38 =	vor.u32 v19, v59;
	v15 =	vmov s14;
	v35 =	vor.u32 v27, v35;
	v32 =	vld.idx.msk [tilespmem:v32+s0+$0x0], $0xffff  }
0x219: {  	v37 =	vor.u32 v27, v37;
	v25 =	vmul.f32 v25, v7;
	v28 =	vmul.f32 v28, v8;
	v29 =	vld.idx.msk [tilespmem:v29+s10+$0x0], $0xffff  }
0x21a: {  	v38 =	vor.u32 v27, v38;
	v31 =	vmul.f32 v31, v9;
	v26 =	vld.idx.msk [tilespmem:v26+s19+$0x0], $0xffff;
	v30 =	vmul.f32 v30, v10  }
0x21b: {  	v25 =	vadd.f32 v28, v25;
	v28 =	vor.u32 v22, v59;
	v39 =	vmul.f32 v24, v11;
	v41 =	vld.idx.msk [tilespmem:v34+s29+$0x0], $0xffff  }
0x21c: {  	v40 =	vor.u32 v27, v28;
	v24 =	vor.u32 v21, v59;
	v28 =	vor.u32 v23, v59;
	v60 =	vld.idx.msk [tilespmem:v36+s17+$0x0], $0xffff  }
0x21d: {  	s21 =	simm.s32 $0x2;
	v44 =	vld.idx.msk [tilespmem:v35+s2+$0x0], $0xffff;
	v61 =	vmul.f32 v32, v12;
	v25 =	vadd.f32 v31, v25;
	v42 =	vor.u32 v27, v24  }
0x21e: {  	v43 =	vor.u32 v27, v28;
	v24 =	vmul.f32 v29, v13;
	v29 =	vmov s21  }
0x21f: {  	v25 =	vadd.f32 v30, v25;
	v27 =	vshll.u32 v29, $0x9;
	v28 =	vshll.u32 v29, $0x7  }
0x220: {  	v32 =	vld.idx.msk [tilespmem:v37+s22+$0x0], $0xffff;
	v29 =	vand.u32 $0x1000, v27;
	v28 =	vand.u32 $0x380, v28;
	v27 =	vmul.f32 v26, v14  }
0x221: {  	s23 =	sshll.u32 s13, $0x7;
	v31 =	vld.idx.msk [tilespmem:v38+s26+$0x0], $0xffff;
	v25 =	vadd.f32 v39, v25;
	v36 =	vmul.f32 v41, v7;
	v33 =	vmul.f32 v60, v9  }
0x222: {  	s4 =	simm.s32 $0x3;
	s1 =	sand.u32 $0xC00, s23;
	v26 =	vld.idx.msk [tilespmem:v40+s0+$0x0], $0xffff;
	v39 =	vmul.f32 v44, v8;
	v30 =	vor.u32 v16, v29;
	v62 =	vor.u32 v17, v29  }
0x223: {  	s25 =	sand.u32 $0x1000, s9;
	s23 =	simm.s32 $0x0;
	s14 =	sadd.s32 $0x18600, s1;
	v63 =	vor.u32 v18, v29;
	v40 =	vor.u32 v20, v29;
	v37 =	vor.u32 v28, v30;
	v30 =	vld.idx.msk [tilespmem:v42+s10+$0x0], $0xffff  }
0x224: {  	s18 =	sadd.s32 s25, s14;
	s25 =	simm.s32 $0x0;
	s21 =	simm.s32 $0x0;
	v34 =	vor.u32 v28, v62;
	v35 =	vadd.f32 v61, v25;
	v25 =	vld.idx.msk [tilespmem:v43+s19+$0x0], $0xffff;
	v38 =	vor.u32 v28, v63  }
.LBB2_11:
0x225: {  	s23 =	sadd.s32 $0x80, s23  }
0x226: {  	v41 =	vor.u32 v19, v29;
	v32 =	vmul.f32 v32, v10;
	v24 =	vadd.f32 v24, v35;
	s25 =	sadd.s32 $0x200, s25;
	s1 =	smov.u32 s4;
	s6 =	sadd.s32 $0x1, s4  }
0x227: {  	p0 =	sne.s32 s4, $0xF;
	v35 =	vor.u32 v28, v40;
	v40 =	vor.u32 v28, v41;
	v36 =	vadd.f32 v39, v36;
	s4 =	sand.u32 $0x1000, s25  }
0x228: {  	s7 =	sand.u32 $0x380, s21;
	v41 =	vmul.f32 v31, v11;
	s21 =	smov.u32 s23;
	v39 =	vld.idx.msk [tilespmem:v37+s29+$0x0], $0xffff;
	v37 =	vor.u32 v22, v29;
	s4 =	sadd.s32 s4, s14;
	v27 =	vadd.f32 v27, v24  }
0x229: {  	s7 =	sadd.s32 s7, s18;
	v24 =	vor.u32 v21, v29;
	v42 =	vld.idx.msk [tilespmem:v34+s2+$0x0], $0xffff;
	v34 =	vor.u32 v28, v37;
	v31 =	vadd.f32 v33, v36;
	s18 =	smov.u32 s4  }
0x22a: {  	v29 =	vor.u32 v23, v29;
	v33 =	vld.idx.msk [tilespmem:v38+s17+$0x0], $0xffff;
	v38 =	vor.u32 v28, v24;
	v24 =	vmul.f32 v30, v13  }
0x22b: {  	v43 =	vor.u32 v28, v29;
	v30 =	vmov s1;
	v36 =	vadd.f32 v32, v31;
	[tilespmem:v15+s7+$0x0 ss:$0x1] =	vst.idx.msk $0xffff, v27  }
0x22c: {  	v27 =	vshll.u32 v30, $0x9;
	v28 =	vshll.u32 v30, $0x7;
	v32 =	vld.idx.msk [tilespmem:v35+s22+$0x0], $0xffff;
	v35 =	vmul.f32 v26, v12  }
.Ltmp4:
0x22d: {  	v29 =	vand.u32 $0x1000, v27;
	v28 =	vand.u32 $0x380, v28;
	v31 =	vld.idx.msk [tilespmem:v40+s26+$0x0], $0xffff;
	v40 =	vadd.f32 v41, v36;
	(pc) =	sbr.rel @p0 .LBB2_11-.Ltmp4, $4  }
0x22e: {  	v27 =	vmul.f32 v25, v14;
	v30 =	vor.u32 v16, v29;
	v36 =	vor.u32 v17, v29;
	v26 =	vld.idx.msk [tilespmem:v34+s0+$0x0], $0xffff  }
0x22f: {  	v37 =	vor.u32 v28, v30;
	v34 =	vor.u32 v28, v36;
	v36 =	vmul.f32 v39, v7;
	v30 =	vld.idx.msk [tilespmem:v38+s10+$0x0], $0xffff  }
0x230: {  	v38 =	vor.u32 v18, v29;
	v33 =	vmul.f32 v33, v9;
	v35 =	vadd.f32 v35, v40;
	v25 =	vld.idx.msk [tilespmem:v43+s19+$0x0], $0xffff  }
0x231: {  	s4 =	smov.u32 s6;
	v39 =	vmul.f32 v42, v8;
	v40 =	vor.u32 v20, v29;
	v38 =	vor.u32 v28, v38  }
0x232: {  	_ =	sdelay $0x3  }
0x233: {  	v16 =	vor.u32 v28, v40;
	v17 =	vld.idx.msk [tilespmem:v37+s29+$0x0], $0xffff  }
0x234: {  	v18 =	vor.u32 v19, v29;
	v51 =	vld.idx.msk [tilespmem:v34+s2+$0x0], $0xffff  }
0x235: {  	v18 =	vor.u32 v28, v18  }
0x236: {  	v20 =	vor.u32 v22, v29;
	v52 =	vld.idx.msk [tilespmem:v38+s17+$0x0], $0xffff  }
0x237: {  	v20 =	vor.u32 v28, v20  }
0x238: {  	v21 =	vor.u32 v21, v29;
	v16 =	vld.idx.msk [tilespmem:v16+s22+$0x0], $0xffff  }
0x239: {  	v21 =	vor.u32 v28, v21;
	v17 =	vmul.f32 v17, v7;
	v19 =	vmul.f32 v51, v8  }
0x23a: {  	v23 =	vor.u32 v23, v29;
	v53 =	vadd.f32 v39, v36;
	v18 =	vld.idx.msk [tilespmem:v18+s26+$0x0], $0xffff  }
0x23b: {  	v23 =	vor.u32 v28, v23;
	v22 =	vmul.f32 v52, v9;
	v17 =	vadd.f32 v19, v17  }
0x23c: {  	v54 =	vmul.f32 v32, v10;
	v55 =	vadd.f32 v33, v53;
	v20 =	vld.idx.msk [tilespmem:v20+s0+$0x0], $0xffff  }
0x23d: {  	v17 =	vadd.f32 v22, v17;
	v16 =	vmul.f32 v16, v10  }
0x23e: {  	v56 =	vmul.f32 v31, v11;
	v21 =	vld.idx.msk [tilespmem:v21+s10+$0x0], $0xffff;
	v19 =	vadd.f32 v54, v55  }
0x23f: {  	v18 =	vmul.f32 v18, v11;
	v16 =	vadd.f32 v16, v17  }
0x240: {  	v57 =	vmul.f32 v26, v12;
	v58 =	vld.idx.msk [tilespmem:v23+s19+$0x0], $0xffff;
	v19 =	vadd.f32 v56, v19  }
0x241: {  	v20 =	vmul.f32 v20, v12;
	v16 =	vadd.f32 v18, v16  }
0x242: {  	s1 =	sadd.s32 $0x80, s23;
	v59 =	vmul.f32 v30, v13;
	v17 =	vadd.f32 v57, v19  }
0x243: {  	v60 =	vadd.f32 v24, v35;
	s4 =	sadd.s32 $0x200, s25;
	s7 =	sand.u32 $0x380, s21;
	s13 =	sadd.s32 $0x1, s13;
	v21 =	vmul.f32 v21, v13;
	v16 =	vadd.f32 v20, v16  }
0x244: {  	s6 =	sand.u32 $0x1000, s4;
	s4 =	sadd.s32 $0x200, s4;
	p0 =	sne.s32 s13, $0x20;
	v61 =	vmul.f32 v25, v14;
	v17 =	vadd.f32 v59, v17  }
.Ltmp5:
0x245: {  	s7 =	sadd.s32 s7, s18;
	s21 =	sadd.s32 $0x80, s1;
	v62 =	vadd.f32 v27, v60;
	v63 =	vmul.f32 v58, v14;
	v16 =	vadd.f32 v21, v16;
	(pc) =	sbr.rel @p0 .LBB2_10-.Ltmp5, $4  }
0x246: {  	s1 =	sand.u32 $0x380, s1;
	s6 =	sadd.s32 s6, s14;
	s4 =	sand.u32 $0x1000, s4;
	v17 =	vadd.f32 v61, v17  }
0x247: {  	s23 =	sand.u32 $0x380, s21;
	s4 =	sadd.s32 s4, s14;
	s1 =	sadd.s32 s1, s6;
	[tilespmem:v15+s7+$0x0 ss:$0x1] =	vst.idx.msk $0xffff, v62;
	v16 =	vadd.f32 v63, v16  }
0x248: {  	s25 =	sadd.s32 s23, s4;
	[tilespmem:v15+s1+$0x0 ss:$0x1] =	vst.idx.msk $0xffff, v17  }
0x249: {  	[tilespmem:v15+s25+$0x0 ss:$0x1] =	vst.idx.msk $0xffff, v16  }
0x24a: {  	s1 =	rddreg [dreg:$0x9];
	s4 =	simm.s32 $0x18600;
	s28 =	simm.s32 $0xE  }
0x24b: {  	[hbm4b:s1+s3] =	stream.linear.scatter [tilespmem:s4], [sflag:$0xD], $0x2000, $0x38;
	[tilespmem:$0x1C680] =	vst v63  }
0x24c: {  	_ =	swait.ge [sflag:s28], $0x2000  }
0x24d: {  	[sflag:s28] =	ssyncset.done $0x0  }
0x24e: {  	s30 =	simm.s32 $0xD;
	[sflag:s28] =	ssyncadd.s32 $0xFFFFE000  }
0x24f: {  	_ =	swait.ge [sflag:s30], $0x2000  }
0x250: {  	s5 =	rddreg [dreg:$0xb]  }
0x251: {  	s31 =	rddreg [dreg:$0xa];
	s5 =	sadd.s32 $0x1, s5  }
0x252: {  	p0 =	sne.s32 s5, s31  }
.Ltmp6:
0x253: {  	_ = 	snop;
	(pc) =	sbr.rel @p0 .LBB2_1-.Ltmp6, $3  }
0x254: {  	_ =	sdelay $0x1  }
0x255: {  	[sflag:s30] =	ssyncset.done $0x0  }
0x256: {  	[sflag:s30] =	ssyncadd.s32 $0xFFFFE000  }
0x257: {  	_ =	sfence.sel $0x180000  }
0x258: {  	[bflag:$0x0] =	sbarrier.arrive $0xFFFF  }
0x259: {  	_ =	strace $0x90000047  }
0x25a: {  	s0 =	stileid.u32;
	[bflag:$0x2] =	sbarrier.arrive $0xFFFF  }
0x25b: {  	p0 =	sne.s32 s0, $0x0;
	s0 =	rddreg [dreg:$0x3]  }
0x25c: {  	s0 =	sadd.s32 @!p0 $0x100000, s0  }
0x25d: {  	[sflag:s0] =	ssyncadd.tile.s32 @!p0 $0x1;
	_ =	shalt  }
.Lfunc_end2:
_tile_overlayer_lowered:
.L_overlay_start_2:
0x25e: {  	(tag) =	ssettag $0x2  }
0x25f: {  	s0 =	rddreg [dreg:$0x0];
	s2 =	stileid.u32  }
0x260: {  	s1 =	rddreg [dreg:$0x1];
	p0 =	sne.s32 s2, $0x0  }
0x261: {  	s3 =	rddreg [dreg:$0x2];
	[bflag:$0x3] =	sbarrier.arrive $0xFFFF;
	s2 =	simm.s32 @!p0 $0x1C0F  }
0x262: {  	[timem:s3], [sflag:s2] =	dma.local @!p0 [hbm:s0], s1  }
0x263: {  	s0 =	simm.s32 @!p0 $0xF  }
0x264: {  	_ =	swait.ge @!p0 [sflag:s0], s1  }
0x265: {  	s1 =	ssub.s32 @!p0 $0x0, s1;
	[sflag:s0] =	ssyncset.done @!p0 $0x0  }
0x266: {  	[sflag:s0] =	ssyncadd.s32 @!p0 s1  }
0x267: {  	[bflag:$0x3] =	sbarrier.arrive $0xFFFF  }
0x268: {  	_ =	shalt  }

</sc_bundles>
